<compile_context>
chip_gen: v7x
topology: tpu7x:2x2x1
jax: 0.10.2.dev20260603
libtpu: 0.0.44.dev20260713+nightly
codegen_flags: <defaults>
</compile_context>

<pallas_src>
import functools

import jax
import jax.numpy as jnp
from jax import lax
from jax.experimental import pallas as pl
from jax.experimental.pallas import tpu as pltpu
from jax.experimental.pallas import tpu_sc as plsc

_NUM_NEURONS = 100000
_NUM_EDGES = 6400000
_TARGET_RATE = 0.05

_PAD_NEURONS = 100352
_HALF = _PAD_NEURONS // 2
_TILE_WORDS = _HALF // 16

_NW = 32
_EDGES_PER_W = _NUM_EDGES // _NW
_CHUNK = 10000
_NCHUNK = _EDGES_PER_W // _CHUNK
_NBUF = 4
_VPC = _CHUNK // 16
_UNROLL = 10

_L2C = (-0.07915037, 0.62881573, -2.0810602, 4.02837277, -2.49677377)
_LN2 = 0.6931471805599453


def _scale_bf16_bits(x):
    rate = jnp.maximum(x, 1e-6)
    ratio = _TARGET_RATE / rate
    b = plsc.bitcast(ratio, jnp.int32)
    e = lax.shift_right_arithmetic(b, 23) - 127
    mb = (b & 0x007FFFFF) | 0x3F800000
    m = plsc.bitcast(mb, jnp.float32)
    l2 = _L2C[0]
    for c in _L2C[1:]:
        l2 = l2 * m + c
    ln = _LN2 * (e.astype(jnp.float32) + l2)
    s = jnp.exp(0.1 * ln)
    s = jnp.minimum(jnp.maximum(s, 0.5), 2.0)
    sb = plsc.bitcast(s, jnp.int32)
    rnd = sb + 0x7FFF + (lax.shift_right_logical(sb, 16) & 1)
    return lax.shift_right_logical(rnd, 16)


def _fused_body(ema_hbm, idx_hbm, w_hbm, out_hbm, table_hbm,
                table_v, bufs, sem_t, sems_i, sems_w, sems_o):
    cid = lax.axis_index("c")
    sid = lax.axis_index("s")
    wid = sid * 2 + cid
    base = wid * _EDGES_PER_W
    i_v0, w_v0 = bufs[0]
    _, w_v1 = bufs[1]

    for g in range(2):
        ib, wb = bufs[g + 2]
        pltpu.async_copy(
            idx_hbm.at[pl.ds(base + g * _CHUNK, _CHUNK)], ib, sems_i[g + 2])
        pltpu.async_copy(
            w_hbm.at[pl.ds(base + g * _CHUNK, _CHUNK)], wb, sems_w[g + 2])

    se = sid * _TILE_WORDS
    c_lo = pltpu.async_copy(ema_hbm.at[pl.ds(se, _TILE_WORDS)],
                            w_v0.at[pl.ds(0, _TILE_WORDS)], sems_i[0])
    c_hi = pltpu.async_copy(ema_hbm.at[pl.ds(_HALF + se, _TILE_WORDS)],
                            w_v1.at[pl.ds(0, _TILE_WORDS)], sems_i[1])
    c_lo.wait()
    c_hi.wait()

    @plsc.parallel_loop(0, _TILE_WORDS // 16, unroll=4)
    def _(i):
        sl = pl.ds(i * 16, 16)
        lo = _scale_bf16_bits(w_v0[sl])
        hi = _scale_bf16_bits(w_v1[sl])
        word = lo | lax.shift_left(hi, 16)
        w_v0[sl] = plsc.bitcast(word, jnp.float32)

    tb = cid * _HALF
    pltpu.sync_copy(w_v0.at[pl.ds(0, _TILE_WORDS)],
                    table_hbm.at[pl.ds(tb + se, _TILE_WORDS)])
    plsc.subcore_barrier()

    ct = pltpu.async_copy(table_hbm.at[pl.ds(tb, _HALF)], table_v, sem_t)
    ct.wait()

    def ring_body(g2, carry):
        for u in range(_NBUF):
            g = g2 * _NBUF + u
            b = (u + 2) % _NBUF
            ib, wb = bufs[b]
            pib, pwb = bufs[u]
            off = base + g * _CHUNK
            poff = off + 2 * _CHUNK

            @pl.when(poff < base + _EDGES_PER_W)
            def _():
                @pl.when(g >= 2)
                def _():
                    pltpu.make_async_copy(
                        pwb, out_hbm.at[pl.ds(off - 2 * _CHUNK, _CHUNK)],
                        sems_o[u]).wait()
                pltpu.async_copy(idx_hbm.at[pl.ds(poff, _CHUNK)], pib,
                                 sems_i[u])
                pltpu.async_copy(w_hbm.at[pl.ds(poff, _CHUNK)], pwb,
                                 sems_w[u])

            pltpu.make_async_copy(
                idx_hbm.at[pl.ds(off, _CHUNK)], ib, sems_i[b]).wait()
            pltpu.make_async_copy(
                w_hbm.at[pl.ds(off, _CHUNK)], wb, sems_w[b]).wait()

            @plsc.parallel_loop(0, _VPC, unroll=_UNROLL)
            def _(i):
                sl = pl.ds(i * 16, 16)
                idx = ib[sl]
                is_hi = idx >= _HALF
                widx = jnp.where(is_hi, idx - _HALF, idx)
                g32 = plsc.bitcast(
                    plsc.load_gather(table_v, [widx]), jnp.int32)
                bits = jnp.where(is_hi, g32 & jnp.int32(-65536),
                                 lax.shift_left(g32, 16))
                wb[sl] = wb[sl] * plsc.bitcast(bits, jnp.float32)

            pltpu.async_copy(wb, out_hbm.at[pl.ds(off, _CHUNK)], sems_o[b])
        return carry

    lax.fori_loop(0, _NCHUNK // _NBUF, ring_body, 0)

    for g in range(_NCHUNK - _NBUF, _NCHUNK):
        r = (g + 2) % _NBUF
        pltpu.make_async_copy(
            bufs[r][1], out_hbm.at[pl.ds(base + g * _CHUNK, _CHUNK)],
            sems_o[r]).wait()


@functools.partial(
    pl.kernel,
    out_type=(
        jax.ShapeDtypeStruct((_NUM_EDGES,), jnp.float32),
        jax.ShapeDtypeStruct((2 * _HALF,), jnp.float32),
    ),
    mesh=plsc.VectorSubcoreMesh(core_axis_name="c", subcore_axis_name="s"),
    compiler_params=pltpu.CompilerParams(needs_layout_passes=False),
    scratch_types=[
        pltpu.VMEM((_HALF,), jnp.float32),
        pltpu.VMEM((_CHUNK,), jnp.int32),
        pltpu.VMEM((_CHUNK,), jnp.float32),
        pltpu.VMEM((_CHUNK,), jnp.int32),
        pltpu.VMEM((_CHUNK,), jnp.float32),
        pltpu.VMEM((_CHUNK,), jnp.int32),
        pltpu.VMEM((_CHUNK,), jnp.float32),
        pltpu.VMEM((_CHUNK,), jnp.int32),
        pltpu.VMEM((_CHUNK,), jnp.float32),
        pltpu.SemaphoreType.DMA,
        pltpu.SemaphoreType.DMA,
        pltpu.SemaphoreType.DMA,
        pltpu.SemaphoreType.DMA,
        pltpu.SemaphoreType.DMA,
        pltpu.SemaphoreType.DMA,
        pltpu.SemaphoreType.DMA,
        pltpu.SemaphoreType.DMA,
        pltpu.SemaphoreType.DMA,
        pltpu.SemaphoreType.DMA,
        pltpu.SemaphoreType.DMA,
        pltpu.SemaphoreType.DMA,
        pltpu.SemaphoreType.DMA,
    ],
)
def _sc_fused(ema_hbm, idx_hbm, w_hbm, out_hbm, table_hbm,
              table_v, i0, w0, i1, w1, i2, w2, i3, w3,
              sem_t, si0, si1, si2, si3, sw0, sw1, sw2, sw3,
              so0, so1, so2, so3):
    _fused_body(ema_hbm, idx_hbm, w_hbm, out_hbm, table_hbm,
                table_v, ((i0, w0), (i1, w1), (i2, w2), (i3, w3)),
                sem_t, (si0, si1, si2, si3), (sw0, sw1, sw2, sw3),
                (so0, so1, so2, so3))


def kernel(w_hat, neuron_to_edge_map, firing_rate_ema):
    ema_pad = jnp.pad(firing_rate_ema, (0, _PAD_NEURONS - _NUM_NEURONS))
    out, _ = _sc_fused(ema_pad, neuron_to_edge_map, w_hat)
    return out

# --- scband reference (transcript-rebuilt; emitter-appended) ---
"""Pipeline reference for scband-synaptic-scaling-68161130987772 (READ-ONLY COPY).

The authoritative reference and input builder live on the scoring server;
editing this copy changes nothing except your own understanding.
"""

import jax, jax.numpy as jnp
import numpy as np

NUM_NEURONS = 100000
NUM_EDGES = 6400000
TARGET_RATE = 0.05
SCALING_STRENGTH = 0.1


def setup_inputs(seed: int = 0) -> dict:
    key = jax.random.key(seed)
    k1, k2, k3 = jax.random.split(key, 3)
    w_hat = jax.random.normal(k1, (NUM_EDGES,), dtype=jnp.float32)
    neuron_to_edge_map = jax.random.randint(k2, (NUM_EDGES,), 0, NUM_NEURONS, dtype=jnp.int32)
    # firing_rate_ema buffer (registered buffer in the torch module). We materialize
    # it with nontrivial values in (0, 0.2] so the scaling computation is exercised.
    firing_rate_ema = jax.random.uniform(k3, (NUM_NEURONS,), dtype=jnp.float32, minval=0.0, maxval=0.2)
    return {"w_hat": w_hat, "neuron_to_edge_map": neuron_to_edge_map, "firing_rate_ema": firing_rate_ema}


def reference(w_hat, neuron_to_edge_map, firing_rate_ema):
    # compute_scaling_factors()
    rate = jnp.maximum(firing_rate_ema, 1e-06)
    ratio = TARGET_RATE / rate
    scale = jnp.power(ratio, SCALING_STRENGTH)
    scale = jnp.clip(scale, 0.5, 2.0)
    # apply_scaling with neuron_to_edge_map provided: per-edge gather of the
    # postsynaptic neuron's scale factor, then multiplicative scaling.
    edge_scale = jnp.take(scale, neuron_to_edge_map, axis=0)
    return w_hat * edge_scale

if __name__ == "__main__":
    import jax
    _d = setup_inputs()
    print(jax.jit(kernel)(*tuple(_d.values())))

</pallas_src>

<mosaic_0001>
#map = affine_map<(d0, d1) -> (0)>
module attributes {stable_mosaic.version = 14 : i64} {
  func.func @_sc_fused(%arg0: i32, %arg1: i32, %arg2: memref<100352xf32, #tpu.memory_space<hbm>>, %arg3: memref<6400000xi32, #tpu.memory_space<hbm>>, %arg4: memref<6400000xf32, #tpu.memory_space<hbm>>, %arg5: memref<6400000xf32, #tpu.memory_space<hbm>>, %arg6: memref<100352xf32, #tpu.memory_space<hbm>>, %arg7: memref<50176xf32, #tpu.memory_space<vmem>>, %arg8: memref<10000xi32, #tpu.memory_space<vmem>>, %arg9: memref<10000xf32, #tpu.memory_space<vmem>>, %arg10: memref<10000xi32, #tpu.memory_space<vmem>>, %arg11: memref<10000xf32, #tpu.memory_space<vmem>>, %arg12: memref<10000xi32, #tpu.memory_space<vmem>>, %arg13: memref<10000xf32, #tpu.memory_space<vmem>>, %arg14: memref<10000xi32, #tpu.memory_space<vmem>>, %arg15: memref<10000xf32, #tpu.memory_space<vmem>>, %arg16: memref<!tpu.dma_semaphore, #tpu.memory_space<semaphore_mem>>, %arg17: memref<!tpu.dma_semaphore, #tpu.memory_space<semaphore_mem>>, %arg18: memref<!tpu.dma_semaphore, #tpu.memory_space<semaphore_mem>>, %arg19: memref<!tpu.dma_semaphore, #tpu.memory_space<semaphore_mem>>, %arg20: memref<!tpu.dma_semaphore, #tpu.memory_space<semaphore_mem>>, %arg21: memref<!tpu.dma_semaphore, #tpu.memory_space<semaphore_mem>>, %arg22: memref<!tpu.dma_semaphore, #tpu.memory_space<semaphore_mem>>, %arg23: memref<!tpu.dma_semaphore, #tpu.memory_space<semaphore_mem>>, %arg24: memref<!tpu.dma_semaphore, #tpu.memory_space<semaphore_mem>>, %arg25: memref<!tpu.dma_semaphore, #tpu.memory_space<semaphore_mem>>, %arg26: memref<!tpu.dma_semaphore, #tpu.memory_space<semaphore_mem>>, %arg27: memref<!tpu.dma_semaphore, #tpu.memory_space<semaphore_mem>>, %arg28: memref<!tpu.dma_semaphore, #tpu.memory_space<semaphore_mem>>) attributes {dimension_semantics = [#tpu.dimension_semantics<core_parallel>, #tpu.dimension_semantics<subcore_parallel>], iteration_bounds = array<i64: 2, 16>, scalar_prefetch = 0 : i64, scratch_operands = 22 : i64, tpu.core_type = #tpu.core_type<sc_vector_subcore>, window_params = [{transform_indices = #map}, {transform_indices = #map}, {transform_indices = #map}, {transform_indices = #map}, {transform_indices = #map}]} {
    %mul3A = arith.constant 2 : i32
    %mul3A_0 = arith.muli %arg1, %mul3A : i32
    %add3A = arith.addi %mul3A_0, %arg0 : i32
    %mul3A_1 = arith.constant 200000 : i32
    %mul3A_2 = arith.muli %add3A, %mul3A_1 : i32
    %add3A_3 = arith.constant 0 : i32
    %add3A_4 = arith.addi %mul3A_2, %add3A_3 : i32
    %dma_start3A = tpu.memref_slice %arg3[%add3A_4] : memref<6400000xi32, #tpu.memory_space<hbm>> -> memref<10000xi32, #tpu.memory_space<hbm>>
    %dma_start3A_5 = tpu.memref_slice %arg3[%add3A_4] : memref<6400000xi32, #tpu.memory_space<hbm>> -> memref<10000xi32, #tpu.memory_space<hbm>>
    tpu.enqueue_dma source(%dma_start3A_5 : memref<10000xi32, #tpu.memory_space<hbm>>) target(%arg12 : memref<10000xi32, #tpu.memory_space<vmem>>) target_semaphore(%arg19 : memref<!tpu.dma_semaphore, #tpu.memory_space<semaphore_mem>>)
    %add3A_6 = arith.constant 0 : i32
    %add3A_7 = arith.addi %mul3A_2, %add3A_6 : i32
    %dma_start3A_8 = tpu.memref_slice %arg4[%add3A_7] : memref<6400000xf32, #tpu.memory_space<hbm>> -> memref<10000xf32, #tpu.memory_space<hbm>>
    %dma_start3A_9 = tpu.memref_slice %arg4[%add3A_7] : memref<6400000xf32, #tpu.memory_space<hbm>> -> memref<10000xf32, #tpu.memory_space<hbm>>
    tpu.enqueue_dma source(%dma_start3A_9 : memref<10000xf32, #tpu.memory_space<hbm>>) target(%arg13 : memref<10000xf32, #tpu.memory_space<vmem>>) target_semaphore(%arg23 : memref<!tpu.dma_semaphore, #tpu.memory_space<semaphore_mem>>)
    %add3A_10 = arith.constant 10000 : i32
    %add3A_11 = arith.addi %mul3A_2, %add3A_10 : i32
    %dma_start3A_12 = tpu.memref_slice %arg3[%add3A_11] : memref<6400000xi32, #tpu.memory_space<hbm>> -> memref<10000xi32, #tpu.memory_space<hbm>>
    %dma_start3A_13 = tpu.memref_slice %arg3[%add3A_11] : memref<6400000xi32, #tpu.memory_space<hbm>> -> memref<10000xi32, #tpu.memory_space<hbm>>
    tpu.enqueue_dma source(%dma_start3A_13 : memref<10000xi32, #tpu.memory_space<hbm>>) target(%arg14 : memref<10000xi32, #tpu.memory_space<vmem>>) target_semaphore(%arg20 : memref<!tpu.dma_semaphore, #tpu.memory_space<semaphore_mem>>)
    %add3A_14 = arith.constant 10000 : i32
    %add3A_15 = arith.addi %mul3A_2, %add3A_14 : i32
    %dma_start3A_16 = tpu.memref_slice %arg4[%add3A_15] : memref<6400000xf32, #tpu.memory_space<hbm>> -> memref<10000xf32, #tpu.memory_space<hbm>>
    %dma_start3A_17 = tpu.memref_slice %arg4[%add3A_15] : memref<6400000xf32, #tpu.memory_space<hbm>> -> memref<10000xf32, #tpu.memory_space<hbm>>
    tpu.enqueue_dma source(%dma_start3A_17 : memref<10000xf32, #tpu.memory_space<hbm>>) target(%arg15 : memref<10000xf32, #tpu.memory_space<vmem>>) target_semaphore(%arg24 : memref<!tpu.dma_semaphore, #tpu.memory_space<semaphore_mem>>)
    %mul3A_18 = arith.constant 3136 : i32
    %mul3A_19 = arith.muli %arg1, %mul3A_18 : i32
    %dma_start3A_20 = arith.constant 0 : i32
    %dma_start3A_21 = tpu.memref_slice %arg9[%dma_start3A_20] : memref<10000xf32, #tpu.memory_space<vmem>> -> memref<3136xf32, #tpu.memory_space<vmem>>
    %dma_start3A_22 = tpu.memref_slice %arg2[%mul3A_19] : memref<100352xf32, #tpu.memory_space<hbm>> -> memref<3136xf32, #tpu.memory_space<hbm>>
    %dma_start3A_23 = arith.constant 0 : i32
    %dma_start3A_24 = tpu.memref_slice %arg9[%dma_start3A_23] : memref<10000xf32, #tpu.memory_space<vmem>> -> memref<3136xf32, #tpu.memory_space<vmem>>
    %dma_start3A_25 = tpu.memref_slice %arg2[%mul3A_19] : memref<100352xf32, #tpu.memory_space<hbm>> -> memref<3136xf32, #tpu.memory_space<hbm>>
    tpu.enqueue_dma source(%dma_start3A_25 : memref<3136xf32, #tpu.memory_space<hbm>>) target(%dma_start3A_24 : memref<3136xf32, #tpu.memory_space<vmem>>) target_semaphore(%arg17 : memref<!tpu.dma_semaphore, #tpu.memory_space<semaphore_mem>>)
    %add3A_26 = arith.constant 50176 : i32
    %add3A_27 = arith.addi %add3A_26, %mul3A_19 : i32
    %dma_start3A_28 = arith.constant 0 : i32
    %dma_start3A_29 = tpu.memref_slice %arg11[%dma_start3A_28] : memref<10000xf32, #tpu.memory_space<vmem>> -> memref<3136xf32, #tpu.memory_space<vmem>>
    %dma_start3A_30 = tpu.memref_slice %arg2[%add3A_27] : memref<100352xf32, #tpu.memory_space<hbm>> -> memref<3136xf32, #tpu.memory_space<hbm>>
    %dma_start3A_31 = arith.constant 0 : i32
    %dma_start3A_32 = tpu.memref_slice %arg11[%dma_start3A_31] : memref<10000xf32, #tpu.memory_space<vmem>> -> memref<3136xf32, #tpu.memory_space<vmem>>
    %dma_start3A_33 = tpu.memref_slice %arg2[%add3A_27] : memref<100352xf32, #tpu.memory_space<hbm>> -> memref<3136xf32, #tpu.memory_space<hbm>>
    tpu.enqueue_dma source(%dma_start3A_33 : memref<3136xf32, #tpu.memory_space<hbm>>) target(%dma_start3A_32 : memref<3136xf32, #tpu.memory_space<vmem>>) target_semaphore(%arg18 : memref<!tpu.dma_semaphore, #tpu.memory_space<semaphore_mem>>)
    %dma_wait3A = arith.constant 0 : i32
    %dma_wait3A_34 = tpu.memref_slice %arg9[%dma_wait3A] : memref<10000xf32, #tpu.memory_space<vmem>> -> memref<3136xf32, #tpu.memory_space<vmem>>
    %dma_wait3A_35 = tpu.memref_slice %arg2[%mul3A_19] : memref<100352xf32, #tpu.memory_space<hbm>> -> memref<3136xf32, #tpu.memory_space<hbm>>
    %dma_wait3A_36 = arith.constant 0 : i32
    %dma_wait3A_37 = tpu.memref_slice %arg9[%dma_wait3A_36] : memref<10000xf32, #tpu.memory_space<vmem>> -> memref<3136xf32, #tpu.memory_space<vmem>>
    %dma_wait3A_38 = tpu.memref_slice %arg2[%mul3A_19] : memref<100352xf32, #tpu.memory_space<hbm>> -> memref<3136xf32, #tpu.memory_space<hbm>>
    tpu.wait_dma2 semaphore(%arg17 : memref<!tpu.dma_semaphore, #tpu.memory_space<semaphore_mem>>) src(%dma_wait3A_38 : memref<3136xf32, #tpu.memory_space<hbm>>) dst(%dma_wait3A_37 : memref<3136xf32, #tpu.memory_space<vmem>>)
    %dma_wait3A_39 = arith.constant 0 : i32
    %dma_wait3A_40 = tpu.memref_slice %arg11[%dma_wait3A_39] : memref<10000xf32, #tpu.memory_space<vmem>> -> memref<3136xf32, #tpu.memory_space<vmem>>
    %dma_wait3A_41 = tpu.memref_slice %arg2[%add3A_27] : memref<100352xf32, #tpu.memory_space<hbm>> -> memref<3136xf32, #tpu.memory_space<hbm>>
    %dma_wait3A_42 = arith.constant 0 : i32
    %dma_wait3A_43 = tpu.memref_slice %arg11[%dma_wait3A_42] : memref<10000xf32, #tpu.memory_space<vmem>> -> memref<3136xf32, #tpu.memory_space<vmem>>
    %dma_wait3A_44 = tpu.memref_slice %arg2[%add3A_27] : memref<100352xf32, #tpu.memory_space<hbm>> -> memref<3136xf32, #tpu.memory_space<hbm>>
    tpu.wait_dma2 semaphore(%arg18 : memref<!tpu.dma_semaphore, #tpu.memory_space<semaphore_mem>>) src(%dma_wait3A_44 : memref<3136xf32, #tpu.memory_space<hbm>>) dst(%dma_wait3A_43 : memref<3136xf32, #tpu.memory_space<vmem>>)
    %parallel_loop3A = arith.constant 0 : i32
    %parallel_loop3A_45 = arith.constant 196 : i32
    %parallel_loop3A_46 = arith.constant 1 : i32
    scf.for %parallel_loop3A_75 = %parallel_loop3A to %parallel_loop3A_45 step %parallel_loop3A_46  : i32 {
      %parallel_loop3A_76 = arith.constant 16 : i32
      %parallel_loop3A_77 = arith.muli %parallel_loop3A_75, %parallel_loop3A_76 : i32
      %parallel_loop3A_78 = arith.index_cast %parallel_loop3A_77 : i32 to index
      %parallel_loop3A_79 = tpu.vector_load %arg9[%parallel_loop3A_78] {strides = array<i32>} : memref<10000xf32, #tpu.memory_space<vmem>>, vector<16xf32>,
      %parallel_loop3A_80 = arith.constant 9.99999997E-7 : f32
      %parallel_loop3A_81 = vector.broadcast %parallel_loop3A_80 : f32 to vector<16xf32>
      %parallel_loop3A_82 = arith.maximumf %parallel_loop3A_79, %parallel_loop3A_81 : vector<16xf32>
      %parallel_loop3A_83 = arith.constant 5.000000e-02 : f32
      %parallel_loop3A_84 = vector.broadcast %parallel_loop3A_83 : f32 to vector<16xf32>
      %parallel_loop3A_85 = arith.divf %parallel_loop3A_84, %parallel_loop3A_82 : vector<16xf32>
      %parallel_loop3A_86 = vector.bitcast %parallel_loop3A_85 : vector<16xf32> to vector<16xi32>
      %parallel_loop3A_87 = arith.constant 23 : i32
      %parallel_loop3A_88 = vector.broadcast %parallel_loop3A_87 : i32 to vector<16xi32>
      %parallel_loop3A_89 = arith.shrsi %parallel_loop3A_86, %parallel_loop3A_88 : vector<16xi32>
      %parallel_loop3A_90 = arith.constant 127 : i32
      %parallel_loop3A_91 = vector.broadcast %parallel_loop3A_90 : i32 to vector<16xi32>
      %parallel_loop3A_92 = arith.subi %parallel_loop3A_89, %parallel_loop3A_91 : vector<16xi32>
      %parallel_loop3A_93 = arith.constant 8388607 : i32
      %parallel_loop3A_94 = vector.broadcast %parallel_loop3A_93 : i32 to vector<16xi32>
      %parallel_loop3A_95 = arith.andi %parallel_loop3A_86, %parallel_loop3A_94 : vector<16xi32>
      %parallel_loop3A_96 = arith.constant 1065353216 : i32
      %parallel_loop3A_97 = vector.broadcast %parallel_loop3A_96 : i32 to vector<16xi32>
      %parallel_loop3A_98 = arith.ori %parallel_loop3A_95, %parallel_loop3A_97 : vector<16xi32>
      %parallel_loop3A_99 = vector.bitcast %parallel_loop3A_98 : vector<16xi32> to vector<16xf32>
      %parallel_loop3A_100 = arith.constant -0.0791503712 : f32
      %parallel_loop3A_101 = vector.broadcast %parallel_loop3A_100 : f32 to vector<16xf32>
      %parallel_loop3A_102 = arith.mulf %parallel_loop3A_101, %parallel_loop3A_99 : vector<16xf32>
      %parallel_loop3A_103 = arith.constant 0.62881571 : f32
      %parallel_loop3A_104 = vector.broadcast %parallel_loop3A_103 : f32 to vector<16xf32>
      %parallel_loop3A_105 = arith.addf %parallel_loop3A_102, %parallel_loop3A_104 : vector<16xf32>
      %parallel_loop3A_106 = arith.mulf %parallel_loop3A_105, %parallel_loop3A_99 : vector<16xf32>
      %parallel_loop3A_107 = arith.constant -2.08106017 : f32
      %parallel_loop3A_108 = vector.broadcast %parallel_loop3A_107 : f32 to vector<16xf32>
      %parallel_loop3A_109 = arith.addf %parallel_loop3A_106, %parallel_loop3A_108 : vector<16xf32>
      %parallel_loop3A_110 = arith.mulf %parallel_loop3A_109, %parallel_loop3A_99 : vector<16xf32>
      %parallel_loop3A_111 = arith.constant 4.02837276 : f32
      %parallel_loop3A_112 = vector.broadcast %parallel_loop3A_111 : f32 to vector<16xf32>
      %parallel_loop3A_113 = arith.addf %parallel_loop3A_110, %parallel_loop3A_112 : vector<16xf32>
      %parallel_loop3A_114 = arith.mulf %parallel_loop3A_113, %parallel_loop3A_99 : vector<16xf32>
      %parallel_loop3A_115 = arith.constant -2.49677372 : f32
      %parallel_loop3A_116 = vector.broadcast %parallel_loop3A_115 : f32 to vector<16xf32>
      %parallel_loop3A_117 = arith.addf %parallel_loop3A_114, %parallel_loop3A_116 : vector<16xf32>
      %parallel_loop3A_118 = arith.sitofp %parallel_loop3A_92 : vector<16xi32> to vector<16xf32>
      %parallel_loop3A_119 = arith.addf %parallel_loop3A_118, %parallel_loop3A_117 : vector<16xf32>
      %parallel_loop3A_120 = arith.constant 0.693147182 : f32
      %parallel_loop3A_121 = vector.broadcast %parallel_loop3A_120 : f32 to vector<16xf32>
      %parallel_loop3A_122 = arith.mulf %parallel_loop3A_121, %parallel_loop3A_119 : vector<16xf32>
      %parallel_loop3A_123 = arith.constant 1.000000e-01 : f32
      %parallel_loop3A_124 = vector.broadcast %parallel_loop3A_123 : f32 to vector<16xf32>
      %parallel_loop3A_125 = arith.mulf %parallel_loop3A_124, %parallel_loop3A_122 : vector<16xf32>
      %parallel_loop3A_126 = math.exp %parallel_loop3A_125 : vector<16xf32>
      %parallel_loop3A_127 = arith.constant 5.000000e-01 : f32
      %parallel_loop3A_128 = vector.broadcast %parallel_loop3A_127 : f32 to vector<16xf32>
      %parallel_loop3A_129 = arith.maximumf %parallel_loop3A_126, %parallel_loop3A_128 : vector<16xf32>
      %parallel_loop3A_130 = arith.constant 2.000000e+00 : f32
      %parallel_loop3A_131 = vector.broadcast %parallel_loop3A_130 : f32 to vector<16xf32>
      %parallel_loop3A_132 = arith.minimumf %parallel_loop3A_129, %parallel_loop3A_131 : vector<16xf32>
      %parallel_loop3A_133 = vector.bitcast %parallel_loop3A_132 : vector<16xf32> to vector<16xi32>
      %parallel_loop3A_134 = arith.constant 32767 : i32
      %parallel_loop3A_135 = vector.broadcast %parallel_loop3A_134 : i32 to vector<16xi32>
      %parallel_loop3A_136 = arith.addi %parallel_loop3A_133, %parallel_loop3A_135 : vector<16xi32>
      %parallel_loop3A_137 = arith.constant 16 : i32
      %parallel_loop3A_138 = vector.broadcast %parallel_loop3A_137 : i32 to vector<16xi32>
      %parallel_loop3A_139 = arith.shrui %parallel_loop3A_133, %parallel_loop3A_138 : vector<16xi32>
      %parallel_loop3A_140 = arith.constant 1 : i32
      %parallel_loop3A_141 = vector.broadcast %parallel_loop3A_140 : i32 to vector<16xi32>
      %parallel_loop3A_142 = arith.andi %parallel_loop3A_139, %parallel_loop3A_141 : vector<16xi32>
      %parallel_loop3A_143 = arith.addi %parallel_loop3A_136, %parallel_loop3A_142 : vector<16xi32>
      %parallel_loop3A_144 = arith.constant 16 : i32
      %parallel_loop3A_145 = vector.broadcast %parallel_loop3A_144 : i32 to vector<16xi32>
      %parallel_loop3A_146 = arith.shrui %parallel_loop3A_143, %parallel_loop3A_145 : vector<16xi32>
      %parallel_loop3A_147 = arith.index_cast %parallel_loop3A_77 : i32 to index
      %parallel_loop3A_148 = tpu.vector_load %arg11[%parallel_loop3A_147] {strides = array<i32>} : memref<10000xf32, #tpu.memory_space<vmem>>, vector<16xf32>,
      %parallel_loop3A_149 = arith.constant 9.99999997E-7 : f32
      %parallel_loop3A_150 = vector.broadcast %parallel_loop3A_149 : f32 to vector<16xf32>
      %parallel_loop3A_151 = arith.maximumf %parallel_loop3A_148, %parallel_loop3A_150 : vector<16xf32>
      %parallel_loop3A_152 = arith.constant 5.000000e-02 : f32
      %parallel_loop3A_153 = vector.broadcast %parallel_loop3A_152 : f32 to vector<16xf32>
      %parallel_loop3A_154 = arith.divf %parallel_loop3A_153, %parallel_loop3A_151 : vector<16xf32>
      %parallel_loop3A_155 = vector.bitcast %parallel_loop3A_154 : vector<16xf32> to vector<16xi32>
      %parallel_loop3A_156 = arith.constant 23 : i32
      %parallel_loop3A_157 = vector.broadcast %parallel_loop3A_156 : i32 to vector<16xi32>
      %parallel_loop3A_158 = arith.shrsi %parallel_loop3A_155, %parallel_loop3A_157 : vector<16xi32>
      %parallel_loop3A_159 = arith.constant 127 : i32
      %parallel_loop3A_160 = vector.broadcast %parallel_loop3A_159 : i32 to vector<16xi32>
      %parallel_loop3A_161 = arith.subi %parallel_loop3A_158, %parallel_loop3A_160 : vector<16xi32>
      %parallel_loop3A_162 = arith.constant 8388607 : i32
      %parallel_loop3A_163 = vector.broadcast %parallel_loop3A_162 : i32 to vector<16xi32>
      %parallel_loop3A_164 = arith.andi %parallel_loop3A_155, %parallel_loop3A_163 : vector<16xi32>
      %parallel_loop3A_165 = arith.constant 1065353216 : i32
      %parallel_loop3A_166 = vector.broadcast %parallel_loop3A_165 : i32 to vector<16xi32>
      %parallel_loop3A_167 = arith.ori %parallel_loop3A_164, %parallel_loop3A_166 : vector<16xi32>
      %parallel_loop3A_168 = vector.bitcast %parallel_loop3A_167 : vector<16xi32> to vector<16xf32>
      %parallel_loop3A_169 = arith.constant -0.0791503712 : f32
      %parallel_loop3A_170 = vector.broadcast %parallel_loop3A_169 : f32 to vector<16xf32>
      %parallel_loop3A_171 = arith.mulf %parallel_loop3A_170, %parallel_loop3A_168 : vector<16xf32>
      %parallel_loop3A_172 = arith.constant 0.62881571 : f32
      %parallel_loop3A_173 = vector.broadcast %parallel_loop3A_172 : f32 to vector<16xf32>
      %parallel_loop3A_174 = arith.addf %parallel_loop3A_171, %parallel_loop3A_173 : vector<16xf32>
      %parallel_loop3A_175 = arith.mulf %parallel_loop3A_174, %parallel_loop3A_168 : vector<16xf32>
      %parallel_loop3A_176 = arith.constant -2.08106017 : f32
      %parallel_loop3A_177 = vector.broadcast %parallel_loop3A_176 : f32 to vector<16xf32>
      %parallel_loop3A_178 = arith.addf %parallel_loop3A_175, %parallel_loop3A_177 : vector<16xf32>
      %parallel_loop3A_179 = arith.mulf %parallel_loop3A_178, %parallel_loop3A_168 : vector<16xf32>
      %parallel_loop3A_180 = arith.constant 4.02837276 : f32
      %parallel_loop3A_181 = vector.broadcast %parallel_loop3A_180 : f32 to vector<16xf32>
      %parallel_loop3A_182 = arith.addf %parallel_loop3A_179, %parallel_loop3A_181 : vector<16xf32>
      %parallel_loop3A_183 = arith.mulf %parallel_loop3A_182, %parallel_loop3A_168 : vector<16xf32>
      %parallel_loop3A_184 = arith.constant -2.49677372 : f32
      %parallel_loop3A_185 = vector.broadcast %parallel_loop3A_184 : f32 to vector<16xf32>
      %parallel_loop3A_186 = arith.addf %parallel_loop3A_183, %parallel_loop3A_185 : vector<16xf32>
      %parallel_loop3A_187 = arith.sitofp %parallel_loop3A_161 : vector<16xi32> to vector<16xf32>
      %parallel_loop3A_188 = arith.addf %parallel_loop3A_187, %parallel_loop3A_186 : vector<16xf32>
      %parallel_loop3A_189 = arith.constant 0.693147182 : f32
      %parallel_loop3A_190 = vector.broadcast %parallel_loop3A_189 : f32 to vector<16xf32>
      %parallel_loop3A_191 = arith.mulf %parallel_loop3A_190, %parallel_loop3A_188 : vector<16xf32>
      %parallel_loop3A_192 = arith.constant 1.000000e-01 : f32
      %parallel_loop3A_193 = vector.broadcast %parallel_loop3A_192 : f32 to vector<16xf32>
      %parallel_loop3A_194 = arith.mulf %parallel_loop3A_193, %parallel_loop3A_191 : vector<16xf32>
      %parallel_loop3A_195 = math.exp %parallel_loop3A_194 : vector<16xf32>
      %parallel_loop3A_196 = arith.constant 5.000000e-01 : f32
      %parallel_loop3A_197 = vector.broadcast %parallel_loop3A_196 : f32 to vector<16xf32>
      %parallel_loop3A_198 = arith.maximumf %parallel_loop3A_195, %parallel_loop3A_197 : vector<16xf32>
      %parallel_loop3A_199 = arith.constant 2.000000e+00 : f32
      %parallel_loop3A_200 = vector.broadcast %parallel_loop3A_199 : f32 to vector<16xf32>
      %parallel_loop3A_201 = arith.minimumf %parallel_loop3A_198, %parallel_loop3A_200 : vector<16xf32>
      %parallel_loop3A_202 = vector.bitcast %parallel_loop3A_201 : vector<16xf32> to vector<16xi32>
      %parallel_loop3A_203 = arith.constant 32767 : i32
      %parallel_loop3A_204 = vector.broadcast %parallel_loop3A_203 : i32 to vector<16xi32>
      %parallel_loop3A_205 = arith.addi %parallel_loop3A_202, %parallel_loop3A_204 : vector<16xi32>
      %parallel_loop3A_206 = arith.constant 16 : i32
      %parallel_loop3A_207 = vector.broadcast %parallel_loop3A_206 : i32 to vector<16xi32>
      %parallel_loop3A_208 = arith.shrui %parallel_loop3A_202, %parallel_loop3A_207 : vector<16xi32>
      %parallel_loop3A_209 = arith.constant 1 : i32
      %parallel_loop3A_210 = vector.broadcast %parallel_loop3A_209 : i32 to vector<16xi32>
      %parallel_loop3A_211 = arith.andi %parallel_loop3A_208, %parallel_loop3A_210 : vector<16xi32>
      %parallel_loop3A_212 = arith.addi %parallel_loop3A_205, %parallel_loop3A_211 : vector<16xi32>
      %parallel_loop3A_213 = arith.constant 16 : i32
      %parallel_loop3A_214 = vector.broadcast %parallel_loop3A_213 : i32 to vector<16xi32>
      %parallel_loop3A_215 = arith.shrui %parallel_loop3A_212, %parallel_loop3A_214 : vector<16xi32>
      %parallel_loop3A_216 = arith.constant 16 : i32
      %parallel_loop3A_217 = vector.broadcast %parallel_loop3A_216 : i32 to vector<16xi32>
      %parallel_loop3A_218 = arith.shli %parallel_loop3A_215, %parallel_loop3A_217 : vector<16xi32>
      %parallel_loop3A_219 = arith.ori %parallel_loop3A_146, %parallel_loop3A_218 : vector<16xi32>
      %parallel_loop3A_220 = vector.bitcast %parallel_loop3A_219 : vector<16xi32> to vector<16xf32>
      %parallel_loop3A_221 = arith.index_cast %parallel_loop3A_77 : i32 to index
      %parallel_loop3A_222 = tpu.vector_load %arg9[%parallel_loop3A_221] {strides = array<i32>} : memref<10000xf32, #tpu.memory_space<vmem>>, vector<16xf32>,
      tpu.vector_store %arg9[%parallel_loop3A_221], %parallel_loop3A_220 {strides = array<i32>} : memref<10000xf32, #tpu.memory_space<vmem>>, vector<16xf32>,
    } {sc.loop_unroll_factor = 4 : i64, sc.parallel_access}
    %mul3A_47 = arith.constant 50176 : i32
    %mul3A_48 = arith.muli %arg0, %mul3A_47 : i32
    %add3A_49 = arith.addi %mul3A_48, %mul3A_19 : i32
    "tpu.region"() ({
      %run_scoped3A = tpu.sem_alloc : memref<!tpu.dma_semaphore, #tpu.memory_space<semaphore_mem>>
      %dma_start3A_75 = arith.constant 0 : i32
      %dma_start3A_76 = tpu.memref_slice %arg9[%dma_start3A_75] : memref<10000xf32, #tpu.memory_space<vmem>> -> memref<3136xf32, #tpu.memory_space<vmem>>
      %dma_start3A_77 = tpu.memref_slice %arg6[%add3A_49] : memref<100352xf32, #tpu.memory_space<hbm>> -> memref<3136xf32, #tpu.memory_space<hbm>>
      %dma_start3A_78 = tpu.memref_slice %arg6[%add3A_49] : memref<100352xf32, #tpu.memory_space<hbm>> -> memref<3136xf32, #tpu.memory_space<hbm>>
      %dma_start3A_79 = arith.constant 0 : i32
      %dma_start3A_80 = tpu.memref_slice %arg9[%dma_start3A_79] : memref<10000xf32, #tpu.memory_space<vmem>> -> memref<3136xf32, #tpu.memory_space<vmem>>
      tpu.enqueue_dma source(%dma_start3A_80 : memref<3136xf32, #tpu.memory_space<vmem>>) target(%dma_start3A_78 : memref<3136xf32, #tpu.memory_space<hbm>>) target_semaphore(%run_scoped3A : memref<!tpu.dma_semaphore, #tpu.memory_space<semaphore_mem>>)
      %dma_wait3A_81 = arith.constant 0 : i32
      %dma_wait3A_82 = tpu.memref_slice %arg9[%dma_wait3A_81] : memref<10000xf32, #tpu.memory_space<vmem>> -> memref<3136xf32, #tpu.memory_space<vmem>>
      %dma_wait3A_83 = tpu.memref_slice %arg6[%add3A_49] : memref<100352xf32, #tpu.memory_space<hbm>> -> memref<3136xf32, #tpu.memory_space<hbm>>
      %dma_wait3A_84 = tpu.memref_slice %arg6[%add3A_49] : memref<100352xf32, #tpu.memory_space<hbm>> -> memref<3136xf32, #tpu.memory_space<hbm>>
      %dma_wait3A_85 = arith.constant 0 : i32
      %dma_wait3A_86 = tpu.memref_slice %arg9[%dma_wait3A_85] : memref<10000xf32, #tpu.memory_space<vmem>> -> memref<3136xf32, #tpu.memory_space<vmem>>
      tpu.wait_dma2 semaphore(%run_scoped3A : memref<!tpu.dma_semaphore, #tpu.memory_space<semaphore_mem>>) src(%dma_wait3A_86 : memref<3136xf32, #tpu.memory_space<vmem>>) dst(%dma_wait3A_84 : memref<3136xf32, #tpu.memory_space<hbm>>)
      tpu.yield
    }) : () -> ()
    %barrier3A = arith.constant 0 : index
    tpu.barrier barrier_id(%barrier3A)
    %dma_start3A_50 = tpu.memref_slice %arg6[%mul3A_48] : memref<100352xf32, #tpu.memory_space<hbm>> -> memref<50176xf32, #tpu.memory_space<hbm>>
    %dma_start3A_51 = tpu.memref_slice %arg6[%mul3A_48] : memref<100352xf32, #tpu.memory_space<hbm>> -> memref<50176xf32, #tpu.memory_space<hbm>>
    tpu.enqueue_dma source(%dma_start3A_51 : memref<50176xf32, #tpu.memory_space<hbm>>) target(%arg7 : memref<50176xf32, #tpu.memory_space<vmem>>) target_semaphore(%arg16 : memref<!tpu.dma_semaphore, #tpu.memory_space<semaphore_mem>>)
    %dma_wait3A_52 = tpu.memref_slice %arg6[%mul3A_48] : memref<100352xf32, #tpu.memory_space<hbm>> -> memref<50176xf32, #tpu.memory_space<hbm>>
    %dma_wait3A_53 = tpu.memref_slice %arg6[%mul3A_48] : memref<100352xf32, #tpu.memory_space<hbm>> -> memref<50176xf32, #tpu.memory_space<hbm>>
    tpu.wait_dma2 semaphore(%arg16 : memref<!tpu.dma_semaphore, #tpu.memory_space<semaphore_mem>>) src(%dma_wait3A_53 : memref<50176xf32, #tpu.memory_space<hbm>>) dst(%arg7 : memref<50176xf32, #tpu.memory_space<vmem>>)
    %scan3A = arith.constant 0 : i32
    %scan3A_54 = arith.constant 0 : i32
    %scan3A_55 = arith.constant 5 : i32
    %scan3A_56 = arith.addi %scan3A_54, %scan3A_55 : i32
    %scan3A_57 = arith.constant 1 : i32
    scf.for %scan3A_75 = %scan3A_54 to %scan3A_56 step %scan3A_57  : i32 {
      %mul3A_76 = arith.constant 4 : i32
      %mul3A_77 = arith.muli %scan3A_75, %mul3A_76 : i32
      %add3A_78 = arith.constant 0 : i32
      %add3A_79 = arith.addi %mul3A_77, %add3A_78 : i32
      %mul3A_80 = arith.constant 10000 : i32
      %mul3A_81 = arith.muli %add3A_79, %mul3A_80 : i32
      %add3A_82 = arith.addi %mul3A_2, %mul3A_81 : i32
      %add3A_83 = arith.constant 20000 : i32
      %add3A_84 = arith.addi %add3A_82, %add3A_83 : i32
      %add3A_85 = arith.constant 200000 : i32
      %add3A_86 = arith.addi %mul3A_2, %add3A_85 : i32
      %lt3A = arith.cmpi slt, %add3A_84, %add3A_86 : i32
      %convert_element_type3A = arith.extui %lt3A : i1 to i32
      %cond3A = arith.constant 0 : i32
      %cond3A_87 = arith.cmpi ne, %convert_element_type3A, %cond3A : i32
      scf.if %cond3A_87 {
        %ge3A = arith.constant 2 : i32
        %ge3A_169 = arith.cmpi sge, %add3A_79, %ge3A : i32
        %convert_element_type3A_170 = arith.extui %ge3A_169 : i1 to i32
        %cond3A_171 = arith.constant 0 : i32
        %cond3A_172 = arith.cmpi ne, %convert_element_type3A_170, %cond3A_171 : i32
        scf.if %cond3A_172 {
          %sub3A = arith.constant 20000 : i32
          %sub3A_177 = arith.subi %add3A_82, %sub3A : i32
          %dma_wait3A_178 = tpu.memref_slice %arg5[%sub3A_177] : memref<6400000xf32, #tpu.memory_space<hbm>> -> memref<10000xf32, #tpu.memory_space<hbm>>
          %dma_wait3A_179 = tpu.memref_slice %arg5[%sub3A_177] : memref<6400000xf32, #tpu.memory_space<hbm>> -> memref<10000xf32, #tpu.memory_space<hbm>>
          tpu.wait_dma2 semaphore(%arg25 : memref<!tpu.dma_semaphore, #tpu.memory_space<semaphore_mem>>) src(%arg9 : memref<10000xf32, #tpu.memory_space<vmem>>) dst(%dma_wait3A_179 : memref<10000xf32, #tpu.memory_space<hbm>>)
        } else {
        }
        %dma_start3A_173 = tpu.memref_slice %arg3[%add3A_84] : memref<6400000xi32, #tpu.memory_space<hbm>> -> memref<10000xi32, #tpu.memory_space<hbm>>
        %dma_start3A_174 = tpu.memref_slice %arg3[%add3A_84] : memref<6400000xi32, #tpu.memory_space<hbm>> -> memref<10000xi32, #tpu.memory_space<hbm>>
        tpu.enqueue_dma source(%dma_start3A_174 : memref<10000xi32, #tpu.memory_space<hbm>>) target(%arg8 : memref<10000xi32, #tpu.memory_space<vmem>>) target_semaphore(%arg17 : memref<!tpu.dma_semaphore, #tpu.memory_space<semaphore_mem>>)
        %dma_start3A_175 = tpu.memref_slice %arg4[%add3A_84] : memref<6400000xf32, #tpu.memory_space<hbm>> -> memref<10000xf32, #tpu.memory_space<hbm>>
        %dma_start3A_176 = tpu.memref_slice %arg4[%add3A_84] : memref<6400000xf32, #tpu.memory_space<hbm>> -> memref<10000xf32, #tpu.memory_space<hbm>>
        tpu.enqueue_dma source(%dma_start3A_176 : memref<10000xf32, #tpu.memory_space<hbm>>) target(%arg9 : memref<10000xf32, #tpu.memory_space<vmem>>) target_semaphore(%arg21 : memref<!tpu.dma_semaphore, #tpu.memory_space<semaphore_mem>>)
      } else {
      }
      %dma_wait3A_88 = tpu.memref_slice %arg3[%add3A_82] : memref<6400000xi32, #tpu.memory_space<hbm>> -> memref<10000xi32, #tpu.memory_space<hbm>>
      %dma_wait3A_89 = tpu.memref_slice %arg3[%add3A_82] : memref<6400000xi32, #tpu.memory_space<hbm>> -> memref<10000xi32, #tpu.memory_space<hbm>>
      tpu.wait_dma2 semaphore(%arg19 : memref<!tpu.dma_semaphore, #tpu.memory_space<semaphore_mem>>) src(%dma_wait3A_89 : memref<10000xi32, #tpu.memory_space<hbm>>) dst(%arg12 : memref<10000xi32, #tpu.memory_space<vmem>>)
      %dma_wait3A_90 = tpu.memref_slice %arg4[%add3A_82] : memref<6400000xf32, #tpu.memory_space<hbm>> -> memref<10000xf32, #tpu.memory_space<hbm>>
      %dma_wait3A_91 = tpu.memref_slice %arg4[%add3A_82] : memref<6400000xf32, #tpu.memory_space<hbm>> -> memref<10000xf32, #tpu.memory_space<hbm>>
      tpu.wait_dma2 semaphore(%arg23 : memref<!tpu.dma_semaphore, #tpu.memory_space<semaphore_mem>>) src(%dma_wait3A_91 : memref<10000xf32, #tpu.memory_space<hbm>>) dst(%arg13 : memref<10000xf32, #tpu.memory_space<vmem>>)
      %parallel_loop3A_92 = arith.constant 0 : i32
      %parallel_loop3A_93 = arith.constant 625 : i32
      %parallel_loop3A_94 = arith.constant 1 : i32
      scf.for %parallel_loop3A_169 = %parallel_loop3A_92 to %parallel_loop3A_93 step %parallel_loop3A_94  : i32 {
        %parallel_loop3A_170 = arith.constant 16 : i32
        %parallel_loop3A_171 = arith.muli %parallel_loop3A_169, %parallel_loop3A_170 : i32
        %parallel_loop3A_172 = arith.index_cast %parallel_loop3A_171 : i32 to index
        %parallel_loop3A_173 = tpu.vector_load %arg12[%parallel_loop3A_172] {strides = array<i32>} : memref<10000xi32, #tpu.memory_space<vmem>>, vector<16xi32>,
        %parallel_loop3A_174 = arith.constant 50176 : i32
        %parallel_loop3A_175 = vector.broadcast %parallel_loop3A_174 : i32 to vector<16xi32>
        %parallel_loop3A_176 = arith.cmpi sge, %parallel_loop3A_173, %parallel_loop3A_175 : vector<16xi32>
        %parallel_loop3A_177 = arith.constant 50176 : i32
        %parallel_loop3A_178 = vector.broadcast %parallel_loop3A_177 : i32 to vector<16xi32>
        %parallel_loop3A_179 = arith.subi %parallel_loop3A_173, %parallel_loop3A_178 : vector<16xi32>
        %parallel_loop3A_180 = arith.select %parallel_loop3A_176, %parallel_loop3A_179, %parallel_loop3A_173 : vector<16xi1>, vector<16xi32>
        %parallel_loop3A_181 = tpu.vector_load_idx %arg7[%parallel_loop3A_180] : memref<50176xf32, #tpu.memory_space<vmem>>[vector<16xi32>], vector<16xf32>,
        %parallel_loop3A_182 = vector.bitcast %parallel_loop3A_181 : vector<16xf32> to vector<16xi32>
        %parallel_loop3A_183 = arith.constant -65536 : i32
        %parallel_loop3A_184 = vector.broadcast %parallel_loop3A_183 : i32 to vector<16xi32>
        %parallel_loop3A_185 = arith.andi %parallel_loop3A_182, %parallel_loop3A_184 : vector<16xi32>
        %parallel_loop3A_186 = arith.constant 16 : i32
        %parallel_loop3A_187 = vector.broadcast %parallel_loop3A_186 : i32 to vector<16xi32>
        %parallel_loop3A_188 = arith.shli %parallel_loop3A_182, %parallel_loop3A_187 : vector<16xi32>
        %parallel_loop3A_189 = arith.select %parallel_loop3A_176, %parallel_loop3A_185, %parallel_loop3A_188 : vector<16xi1>, vector<16xi32>
        %parallel_loop3A_190 = arith.index_cast %parallel_loop3A_171 : i32 to index
        %parallel_loop3A_191 = tpu.vector_load %arg13[%parallel_loop3A_190] {strides = array<i32>} : memref<10000xf32, #tpu.memory_space<vmem>>, vector<16xf32>,
        %parallel_loop3A_192 = vector.bitcast %parallel_loop3A_189 : vector<16xi32> to vector<16xf32>
        %parallel_loop3A_193 = arith.mulf %parallel_loop3A_191, %parallel_loop3A_192 : vector<16xf32>
        %parallel_loop3A_194 = arith.index_cast %parallel_loop3A_171 : i32 to index
        %parallel_loop3A_195 = tpu.vector_load %arg13[%parallel_loop3A_194] {strides = array<i32>} : memref<10000xf32, #tpu.memory_space<vmem>>, vector<16xf32>,
        tpu.vector_store %arg13[%parallel_loop3A_194], %parallel_loop3A_193 {strides = array<i32>} : memref<10000xf32, #tpu.memory_space<vmem>>, vector<16xf32>,
      } {sc.loop_unroll_factor = 10 : i64, sc.parallel_access}
      %dma_start3A_95 = tpu.memref_slice %arg5[%add3A_82] : memref<6400000xf32, #tpu.memory_space<hbm>> -> memref<10000xf32, #tpu.memory_space<hbm>>
      %dma_start3A_96 = tpu.memref_slice %arg5[%add3A_82] : memref<6400000xf32, #tpu.memory_space<hbm>> -> memref<10000xf32, #tpu.memory_space<hbm>>
      tpu.enqueue_dma source(%arg13 : memref<10000xf32, #tpu.memory_space<vmem>>) target(%dma_start3A_96 : memref<10000xf32, #tpu.memory_space<hbm>>) target_semaphore(%arg27 : memref<!tpu.dma_semaphore, #tpu.memory_space<semaphore_mem>>)
      %mul3A_97 = arith.constant 4 : i32
      %mul3A_98 = arith.muli %scan3A_75, %mul3A_97 : i32
      %add3A_99 = arith.constant 1 : i32
      %add3A_100 = arith.addi %mul3A_98, %add3A_99 : i32
      %mul3A_101 = arith.constant 10000 : i32
      %mul3A_102 = arith.muli %add3A_100, %mul3A_101 : i32
      %add3A_103 = arith.addi %mul3A_2, %mul3A_102 : i32
      %add3A_104 = arith.constant 20000 : i32
      %add3A_105 = arith.addi %add3A_103, %add3A_104 : i32
      %add3A_106 = arith.constant 200000 : i32
      %add3A_107 = arith.addi %mul3A_2, %add3A_106 : i32
      %lt3A_108 = arith.cmpi slt, %add3A_105, %add3A_107 : i32
      %convert_element_type3A_109 = arith.extui %lt3A_108 : i1 to i32
      %cond3A_110 = arith.constant 0 : i32
      %cond3A_111 = arith.cmpi ne, %convert_element_type3A_109, %cond3A_110 : i32
      scf.if %cond3A_111 {
        %ge3A = arith.constant 2 : i32
        %ge3A_169 = arith.cmpi sge, %add3A_100, %ge3A : i32
        %convert_element_type3A_170 = arith.extui %ge3A_169 : i1 to i32
        %cond3A_171 = arith.constant 0 : i32
        %cond3A_172 = arith.cmpi ne, %convert_element_type3A_170, %cond3A_171 : i32
        scf.if %cond3A_172 {
          %sub3A = arith.constant 20000 : i32
          %sub3A_177 = arith.subi %add3A_103, %sub3A : i32
          %dma_wait3A_178 = tpu.memref_slice %arg5[%sub3A_177] : memref<6400000xf32, #tpu.memory_space<hbm>> -> memref<10000xf32, #tpu.memory_space<hbm>>
          %dma_wait3A_179 = tpu.memref_slice %arg5[%sub3A_177] : memref<6400000xf32, #tpu.memory_space<hbm>> -> memref<10000xf32, #tpu.memory_space<hbm>>
          tpu.wait_dma2 semaphore(%arg26 : memref<!tpu.dma_semaphore, #tpu.memory_space<semaphore_mem>>) src(%arg11 : memref<10000xf32, #tpu.memory_space<vmem>>) dst(%dma_wait3A_179 : memref<10000xf32, #tpu.memory_space<hbm>>)
        } else {
        }
        %dma_start3A_173 = tpu.memref_slice %arg3[%add3A_105] : memref<6400000xi32, #tpu.memory_space<hbm>> -> memref<10000xi32, #tpu.memory_space<hbm>>
        %dma_start3A_174 = tpu.memref_slice %arg3[%add3A_105] : memref<6400000xi32, #tpu.memory_space<hbm>> -> memref<10000xi32, #tpu.memory_space<hbm>>
        tpu.enqueue_dma source(%dma_start3A_174 : memref<10000xi32, #tpu.memory_space<hbm>>) target(%arg10 : memref<10000xi32, #tpu.memory_space<vmem>>) target_semaphore(%arg18 : memref<!tpu.dma_semaphore, #tpu.memory_space<semaphore_mem>>)
        %dma_start3A_175 = tpu.memref_slice %arg4[%add3A_105] : memref<6400000xf32, #tpu.memory_space<hbm>> -> memref<10000xf32, #tpu.memory_space<hbm>>
        %dma_start3A_176 = tpu.memref_slice %arg4[%add3A_105] : memref<6400000xf32, #tpu.memory_space<hbm>> -> memref<10000xf32, #tpu.memory_space<hbm>>
        tpu.enqueue_dma source(%dma_start3A_176 : memref<10000xf32, #tpu.memory_space<hbm>>) target(%arg11 : memref<10000xf32, #tpu.memory_space<vmem>>) target_semaphore(%arg22 : memref<!tpu.dma_semaphore, #tpu.memory_space<semaphore_mem>>)
      } else {
      }
      %dma_wait3A_112 = tpu.memref_slice %arg3[%add3A_103] : memref<6400000xi32, #tpu.memory_space<hbm>> -> memref<10000xi32, #tpu.memory_space<hbm>>
      %dma_wait3A_113 = tpu.memref_slice %arg3[%add3A_103] : memref<6400000xi32, #tpu.memory_space<hbm>> -> memref<10000xi32, #tpu.memory_space<hbm>>
      tpu.wait_dma2 semaphore(%arg20 : memref<!tpu.dma_semaphore, #tpu.memory_space<semaphore_mem>>) src(%dma_wait3A_113 : memref<10000xi32, #tpu.memory_space<hbm>>) dst(%arg14 : memref<10000xi32, #tpu.memory_space<vmem>>)
      %dma_wait3A_114 = tpu.memref_slice %arg4[%add3A_103] : memref<6400000xf32, #tpu.memory_space<hbm>> -> memref<10000xf32, #tpu.memory_space<hbm>>
      %dma_wait3A_115 = tpu.memref_slice %arg4[%add3A_103] : memref<6400000xf32, #tpu.memory_space<hbm>> -> memref<10000xf32, #tpu.memory_space<hbm>>
      tpu.wait_dma2 semaphore(%arg24 : memref<!tpu.dma_semaphore, #tpu.memory_space<semaphore_mem>>) src(%dma_wait3A_115 : memref<10000xf32, #tpu.memory_space<hbm>>) dst(%arg15 : memref<10000xf32, #tpu.memory_space<vmem>>)
      %parallel_loop3A_116 = arith.constant 0 : i32
      %parallel_loop3A_117 = arith.constant 625 : i32
      %parallel_loop3A_118 = arith.constant 1 : i32
      scf.for %parallel_loop3A_169 = %parallel_loop3A_116 to %parallel_loop3A_117 step %parallel_loop3A_118  : i32 {
        %parallel_loop3A_170 = arith.constant 16 : i32
        %parallel_loop3A_171 = arith.muli %parallel_loop3A_169, %parallel_loop3A_170 : i32
        %parallel_loop3A_172 = arith.index_cast %parallel_loop3A_171 : i32 to index
        %parallel_loop3A_173 = tpu.vector_load %arg14[%parallel_loop3A_172] {strides = array<i32>} : memref<10000xi32, #tpu.memory_space<vmem>>, vector<16xi32>,
        %parallel_loop3A_174 = arith.constant 50176 : i32
        %parallel_loop3A_175 = vector.broadcast %parallel_loop3A_174 : i32 to vector<16xi32>
        %parallel_loop3A_176 = arith.cmpi sge, %parallel_loop3A_173, %parallel_loop3A_175 : vector<16xi32>
        %parallel_loop3A_177 = arith.constant 50176 : i32
        %parallel_loop3A_178 = vector.broadcast %parallel_loop3A_177 : i32 to vector<16xi32>
        %parallel_loop3A_179 = arith.subi %parallel_loop3A_173, %parallel_loop3A_178 : vector<16xi32>
        %parallel_loop3A_180 = arith.select %parallel_loop3A_176, %parallel_loop3A_179, %parallel_loop3A_173 : vector<16xi1>, vector<16xi32>
        %parallel_loop3A_181 = tpu.vector_load_idx %arg7[%parallel_loop3A_180] : memref<50176xf32, #tpu.memory_space<vmem>>[vector<16xi32>], vector<16xf32>,
        %parallel_loop3A_182 = vector.bitcast %parallel_loop3A_181 : vector<16xf32> to vector<16xi32>
        %parallel_loop3A_183 = arith.constant -65536 : i32
        %parallel_loop3A_184 = vector.broadcast %parallel_loop3A_183 : i32 to vector<16xi32>
        %parallel_loop3A_185 = arith.andi %parallel_loop3A_182, %parallel_loop3A_184 : vector<16xi32>
        %parallel_loop3A_186 = arith.constant 16 : i32
        %parallel_loop3A_187 = vector.broadcast %parallel_loop3A_186 : i32 to vector<16xi32>
        %parallel_loop3A_188 = arith.shli %parallel_loop3A_182, %parallel_loop3A_187 : vector<16xi32>
        %parallel_loop3A_189 = arith.select %parallel_loop3A_176, %parallel_loop3A_185, %parallel_loop3A_188 : vector<16xi1>, vector<16xi32>
        %parallel_loop3A_190 = arith.index_cast %parallel_loop3A_171 : i32 to index
        %parallel_loop3A_191 = tpu.vector_load %arg15[%parallel_loop3A_190] {strides = array<i32>} : memref<10000xf32, #tpu.memory_space<vmem>>, vector<16xf32>,
        %parallel_loop3A_192 = vector.bitcast %parallel_loop3A_189 : vector<16xi32> to vector<16xf32>
        %parallel_loop3A_193 = arith.mulf %parallel_loop3A_191, %parallel_loop3A_192 : vector<16xf32>
        %parallel_loop3A_194 = arith.index_cast %parallel_loop3A_171 : i32 to index
        %parallel_loop3A_195 = tpu.vector_load %arg15[%parallel_loop3A_194] {strides = array<i32>} : memref<10000xf32, #tpu.memory_space<vmem>>, vector<16xf32>,
        tpu.vector_store %arg15[%parallel_loop3A_194], %parallel_loop3A_193 {strides = array<i32>} : memref<10000xf32, #tpu.memory_space<vmem>>, vector<16xf32>,
      } {sc.loop_unroll_factor = 10 : i64, sc.parallel_access}
      %dma_start3A_119 = tpu.memref_slice %arg5[%add3A_103] : memref<6400000xf32, #tpu.memory_space<hbm>> -> memref<10000xf32, #tpu.memory_space<hbm>>
      %dma_start3A_120 = tpu.memref_slice %arg5[%add3A_103] : memref<6400000xf32, #tpu.memory_space<hbm>> -> memref<10000xf32, #tpu.memory_space<hbm>>
      tpu.enqueue_dma source(%arg15 : memref<10000xf32, #tpu.memory_space<vmem>>) target(%dma_start3A_120 : memref<10000xf32, #tpu.memory_space<hbm>>) target_semaphore(%arg28 : memref<!tpu.dma_semaphore, #tpu.memory_space<semaphore_mem>>)
      %mul3A_121 = arith.constant 4 : i32
      %mul3A_122 = arith.muli %scan3A_75, %mul3A_121 : i32
      %add3A_123 = arith.constant 2 : i32
      %add3A_124 = arith.addi %mul3A_122, %add3A_123 : i32
      %mul3A_125 = arith.constant 10000 : i32
      %mul3A_126 = arith.muli %add3A_124, %mul3A_125 : i32
      %add3A_127 = arith.addi %mul3A_2, %mul3A_126 : i32
      %add3A_128 = arith.constant 20000 : i32
      %add3A_129 = arith.addi %add3A_127, %add3A_128 : i32
      %add3A_130 = arith.constant 200000 : i32
      %add3A_131 = arith.addi %mul3A_2, %add3A_130 : i32
      %lt3A_132 = arith.cmpi slt, %add3A_129, %add3A_131 : i32
      %convert_element_type3A_133 = arith.extui %lt3A_132 : i1 to i32
      %cond3A_134 = arith.constant 0 : i32
      %cond3A_135 = arith.cmpi ne, %convert_element_type3A_133, %cond3A_134 : i32
      scf.if %cond3A_135 {
        %ge3A = arith.constant 2 : i32
        %ge3A_169 = arith.cmpi sge, %add3A_124, %ge3A : i32
        %convert_element_type3A_170 = arith.extui %ge3A_169 : i1 to i32
        %cond3A_171 = arith.constant 0 : i32
        %cond3A_172 = arith.cmpi ne, %convert_element_type3A_170, %cond3A_171 : i32
        scf.if %cond3A_172 {
          %sub3A = arith.constant 20000 : i32
          %sub3A_177 = arith.subi %add3A_127, %sub3A : i32
          %dma_wait3A_178 = tpu.memref_slice %arg5[%sub3A_177] : memref<6400000xf32, #tpu.memory_space<hbm>> -> memref<10000xf32, #tpu.memory_space<hbm>>
          %dma_wait3A_179 = tpu.memref_slice %arg5[%sub3A_177] : memref<6400000xf32, #tpu.memory_space<hbm>> -> memref<10000xf32, #tpu.memory_space<hbm>>
          tpu.wait_dma2 semaphore(%arg27 : memref<!tpu.dma_semaphore, #tpu.memory_space<semaphore_mem>>) src(%arg13 : memref<10000xf32, #tpu.memory_space<vmem>>) dst(%dma_wait3A_179 : memref<10000xf32, #tpu.memory_space<hbm>>)
        } else {
        }
        %dma_start3A_173 = tpu.memref_slice %arg3[%add3A_129] : memref<6400000xi32, #tpu.memory_space<hbm>> -> memref<10000xi32, #tpu.memory_space<hbm>>
        %dma_start3A_174 = tpu.memref_slice %arg3[%add3A_129] : memref<6400000xi32, #tpu.memory_space<hbm>> -> memref<10000xi32, #tpu.memory_space<hbm>>
        tpu.enqueue_dma source(%dma_start3A_174 : memref<10000xi32, #tpu.memory_space<hbm>>) target(%arg12 : memref<10000xi32, #tpu.memory_space<vmem>>) target_semaphore(%arg19 : memref<!tpu.dma_semaphore, #tpu.memory_space<semaphore_mem>>)
        %dma_start3A_175 = tpu.memref_slice %arg4[%add3A_129] : memref<6400000xf32, #tpu.memory_space<hbm>> -> memref<10000xf32, #tpu.memory_space<hbm>>
        %dma_start3A_176 = tpu.memref_slice %arg4[%add3A_129] : memref<6400000xf32, #tpu.memory_space<hbm>> -> memref<10000xf32, #tpu.memory_space<hbm>>
        tpu.enqueue_dma source(%dma_start3A_176 : memref<10000xf32, #tpu.memory_space<hbm>>) target(%arg13 : memref<10000xf32, #tpu.memory_space<vmem>>) target_semaphore(%arg23 : memref<!tpu.dma_semaphore, #tpu.memory_space<semaphore_mem>>)
      } else {
      }
      %dma_wait3A_136 = tpu.memref_slice %arg3[%add3A_127] : memref<6400000xi32, #tpu.memory_space<hbm>> -> memref<10000xi32, #tpu.memory_space<hbm>>
      %dma_wait3A_137 = tpu.memref_slice %arg3[%add3A_127] : memref<6400000xi32, #tpu.memory_space<hbm>> -> memref<10000xi32, #tpu.memory_space<hbm>>
      tpu.wait_dma2 semaphore(%arg17 : memref<!tpu.dma_semaphore, #tpu.memory_space<semaphore_mem>>) src(%dma_wait3A_137 : memref<10000xi32, #tpu.memory_space<hbm>>) dst(%arg8 : memref<10000xi32, #tpu.memory_space<vmem>>)
      %dma_wait3A_138 = tpu.memref_slice %arg4[%add3A_127] : memref<6400000xf32, #tpu.memory_space<hbm>> -> memref<10000xf32, #tpu.memory_space<hbm>>
      %dma_wait3A_139 = tpu.memref_slice %arg4[%add3A_127] : memref<6400000xf32, #tpu.memory_space<hbm>> -> memref<10000xf32, #tpu.memory_space<hbm>>
      tpu.wait_dma2 semaphore(%arg21 : memref<!tpu.dma_semaphore, #tpu.memory_space<semaphore_mem>>) src(%dma_wait3A_139 : memref<10000xf32, #tpu.memory_space<hbm>>) dst(%arg9 : memref<10000xf32, #tpu.memory_space<vmem>>)
      %parallel_loop3A_140 = arith.constant 0 : i32
      %parallel_loop3A_141 = arith.constant 625 : i32
      %parallel_loop3A_142 = arith.constant 1 : i32
      scf.for %parallel_loop3A_169 = %parallel_loop3A_140 to %parallel_loop3A_141 step %parallel_loop3A_142  : i32 {
        %parallel_loop3A_170 = arith.constant 16 : i32
        %parallel_loop3A_171 = arith.muli %parallel_loop3A_169, %parallel_loop3A_170 : i32
        %parallel_loop3A_172 = arith.index_cast %parallel_loop3A_171 : i32 to index
        %parallel_loop3A_173 = tpu.vector_load %arg8[%parallel_loop3A_172] {strides = array<i32>} : memref<10000xi32, #tpu.memory_space<vmem>>, vector<16xi32>,
        %parallel_loop3A_174 = arith.constant 50176 : i32
        %parallel_loop3A_175 = vector.broadcast %parallel_loop3A_174 : i32 to vector<16xi32>
        %parallel_loop3A_176 = arith.cmpi sge, %parallel_loop3A_173, %parallel_loop3A_175 : vector<16xi32>
        %parallel_loop3A_177 = arith.constant 50176 : i32
        %parallel_loop3A_178 = vector.broadcast %parallel_loop3A_177 : i32 to vector<16xi32>
        %parallel_loop3A_179 = arith.subi %parallel_loop3A_173, %parallel_loop3A_178 : vector<16xi32>
        %parallel_loop3A_180 = arith.select %parallel_loop3A_176, %parallel_loop3A_179, %parallel_loop3A_173 : vector<16xi1>, vector<16xi32>
        %parallel_loop3A_181 = tpu.vector_load_idx %arg7[%parallel_loop3A_180] : memref<50176xf32, #tpu.memory_space<vmem>>[vector<16xi32>], vector<16xf32>,
        %parallel_loop3A_182 = vector.bitcast %parallel_loop3A_181 : vector<16xf32> to vector<16xi32>
        %parallel_loop3A_183 = arith.constant -65536 : i32
        %parallel_loop3A_184 = vector.broadcast %parallel_loop3A_183 : i32 to vector<16xi32>
        %parallel_loop3A_185 = arith.andi %parallel_loop3A_182, %parallel_loop3A_184 : vector<16xi32>
        %parallel_loop3A_186 = arith.constant 16 : i32
        %parallel_loop3A_187 = vector.broadcast %parallel_loop3A_186 : i32 to vector<16xi32>
        %parallel_loop3A_188 = arith.shli %parallel_loop3A_182, %parallel_loop3A_187 : vector<16xi32>
        %parallel_loop3A_189 = arith.select %parallel_loop3A_176, %parallel_loop3A_185, %parallel_loop3A_188 : vector<16xi1>, vector<16xi32>
        %parallel_loop3A_190 = arith.index_cast %parallel_loop3A_171 : i32 to index
        %parallel_loop3A_191 = tpu.vector_load %arg9[%parallel_loop3A_190] {strides = array<i32>} : memref<10000xf32, #tpu.memory_space<vmem>>, vector<16xf32>,
        %parallel_loop3A_192 = vector.bitcast %parallel_loop3A_189 : vector<16xi32> to vector<16xf32>
        %parallel_loop3A_193 = arith.mulf %parallel_loop3A_191, %parallel_loop3A_192 : vector<16xf32>
        %parallel_loop3A_194 = arith.index_cast %parallel_loop3A_171 : i32 to index
        %parallel_loop3A_195 = tpu.vector_load %arg9[%parallel_loop3A_194] {strides = array<i32>} : memref<10000xf32, #tpu.memory_space<vmem>>, vector<16xf32>,
        tpu.vector_store %arg9[%parallel_loop3A_194], %parallel_loop3A_193 {strides = array<i32>} : memref<10000xf32, #tpu.memory_space<vmem>>, vector<16xf32>,
      } {sc.loop_unroll_factor = 10 : i64, sc.parallel_access}
      %dma_start3A_143 = tpu.memref_slice %arg5[%add3A_127] : memref<6400000xf32, #tpu.memory_space<hbm>> -> memref<10000xf32, #tpu.memory_space<hbm>>
      %dma_start3A_144 = tpu.memref_slice %arg5[%add3A_127] : memref<6400000xf32, #tpu.memory_space<hbm>> -> memref<10000xf32, #tpu.memory_space<hbm>>
      tpu.enqueue_dma source(%arg9 : memref<10000xf32, #tpu.memory_space<vmem>>) target(%dma_start3A_144 : memref<10000xf32, #tpu.memory_space<hbm>>) target_semaphore(%arg25 : memref<!tpu.dma_semaphore, #tpu.memory_space<semaphore_mem>>)
      %mul3A_145 = arith.constant 4 : i32
      %mul3A_146 = arith.muli %scan3A_75, %mul3A_145 : i32
      %add3A_147 = arith.constant 3 : i32
      %add3A_148 = arith.addi %mul3A_146, %add3A_147 : i32
      %mul3A_149 = arith.constant 10000 : i32
      %mul3A_150 = arith.muli %add3A_148, %mul3A_149 : i32
      %add3A_151 = arith.addi %mul3A_2, %mul3A_150 : i32
      %add3A_152 = arith.constant 20000 : i32
      %add3A_153 = arith.addi %add3A_151, %add3A_152 : i32
      %add3A_154 = arith.constant 200000 : i32
      %add3A_155 = arith.addi %mul3A_2, %add3A_154 : i32
      %lt3A_156 = arith.cmpi slt, %add3A_153, %add3A_155 : i32
      %convert_element_type3A_157 = arith.extui %lt3A_156 : i1 to i32
      %cond3A_158 = arith.constant 0 : i32
      %cond3A_159 = arith.cmpi ne, %convert_element_type3A_157, %cond3A_158 : i32
      scf.if %cond3A_159 {
        %ge3A = arith.constant 2 : i32
        %ge3A_169 = arith.cmpi sge, %add3A_148, %ge3A : i32
        %convert_element_type3A_170 = arith.extui %ge3A_169 : i1 to i32
        %cond3A_171 = arith.constant 0 : i32
        %cond3A_172 = arith.cmpi ne, %convert_element_type3A_170, %cond3A_171 : i32
        scf.if %cond3A_172 {
          %sub3A = arith.constant 20000 : i32
          %sub3A_177 = arith.subi %add3A_151, %sub3A : i32
          %dma_wait3A_178 = tpu.memref_slice %arg5[%sub3A_177] : memref<6400000xf32, #tpu.memory_space<hbm>> -> memref<10000xf32, #tpu.memory_space<hbm>>
          %dma_wait3A_179 = tpu.memref_slice %arg5[%sub3A_177] : memref<6400000xf32, #tpu.memory_space<hbm>> -> memref<10000xf32, #tpu.memory_space<hbm>>
          tpu.wait_dma2 semaphore(%arg28 : memref<!tpu.dma_semaphore, #tpu.memory_space<semaphore_mem>>) src(%arg15 : memref<10000xf32, #tpu.memory_space<vmem>>) dst(%dma_wait3A_179 : memref<10000xf32, #tpu.memory_space<hbm>>)
        } else {
        }
        %dma_start3A_173 = tpu.memref_slice %arg3[%add3A_153] : memref<6400000xi32, #tpu.memory_space<hbm>> -> memref<10000xi32, #tpu.memory_space<hbm>>
        %dma_start3A_174 = tpu.memref_slice %arg3[%add3A_153] : memref<6400000xi32, #tpu.memory_space<hbm>> -> memref<10000xi32, #tpu.memory_space<hbm>>
        tpu.enqueue_dma source(%dma_start3A_174 : memref<10000xi32, #tpu.memory_space<hbm>>) target(%arg14 : memref<10000xi32, #tpu.memory_space<vmem>>) target_semaphore(%arg20 : memref<!tpu.dma_semaphore, #tpu.memory_space<semaphore_mem>>)
        %dma_start3A_175 = tpu.memref_slice %arg4[%add3A_153] : memref<6400000xf32, #tpu.memory_space<hbm>> -> memref<10000xf32, #tpu.memory_space<hbm>>
        %dma_start3A_176 = tpu.memref_slice %arg4[%add3A_153] : memref<6400000xf32, #tpu.memory_space<hbm>> -> memref<10000xf32, #tpu.memory_space<hbm>>
        tpu.enqueue_dma source(%dma_start3A_176 : memref<10000xf32, #tpu.memory_space<hbm>>) target(%arg15 : memref<10000xf32, #tpu.memory_space<vmem>>) target_semaphore(%arg24 : memref<!tpu.dma_semaphore, #tpu.memory_space<semaphore_mem>>)
      } else {
      }
      %dma_wait3A_160 = tpu.memref_slice %arg3[%add3A_151] : memref<6400000xi32, #tpu.memory_space<hbm>> -> memref<10000xi32, #tpu.memory_space<hbm>>
      %dma_wait3A_161 = tpu.memref_slice %arg3[%add3A_151] : memref<6400000xi32, #tpu.memory_space<hbm>> -> memref<10000xi32, #tpu.memory_space<hbm>>
      tpu.wait_dma2 semaphore(%arg18 : memref<!tpu.dma_semaphore, #tpu.memory_space<semaphore_mem>>) src(%dma_wait3A_161 : memref<10000xi32, #tpu.memory_space<hbm>>) dst(%arg10 : memref<10000xi32, #tpu.memory_space<vmem>>)
      %dma_wait3A_162 = tpu.memref_slice %arg4[%add3A_151] : memref<6400000xf32, #tpu.memory_space<hbm>> -> memref<10000xf32, #tpu.memory_space<hbm>>
      %dma_wait3A_163 = tpu.memref_slice %arg4[%add3A_151] : memref<6400000xf32, #tpu.memory_space<hbm>> -> memref<10000xf32, #tpu.memory_space<hbm>>
      tpu.wait_dma2 semaphore(%arg22 : memref<!tpu.dma_semaphore, #tpu.memory_space<semaphore_mem>>) src(%dma_wait3A_163 : memref<10000xf32, #tpu.memory_space<hbm>>) dst(%arg11 : memref<10000xf32, #tpu.memory_space<vmem>>)
      %parallel_loop3A_164 = arith.constant 0 : i32
      %parallel_loop3A_165 = arith.constant 625 : i32
      %parallel_loop3A_166 = arith.constant 1 : i32
      scf.for %parallel_loop3A_169 = %parallel_loop3A_164 to %parallel_loop3A_165 step %parallel_loop3A_166  : i32 {
        %parallel_loop3A_170 = arith.constant 16 : i32
        %parallel_loop3A_171 = arith.muli %parallel_loop3A_169, %parallel_loop3A_170 : i32
        %parallel_loop3A_172 = arith.index_cast %parallel_loop3A_171 : i32 to index
        %parallel_loop3A_173 = tpu.vector_load %arg10[%parallel_loop3A_172] {strides = array<i32>} : memref<10000xi32, #tpu.memory_space<vmem>>, vector<16xi32>,
        %parallel_loop3A_174 = arith.constant 50176 : i32
        %parallel_loop3A_175 = vector.broadcast %parallel_loop3A_174 : i32 to vector<16xi32>
        %parallel_loop3A_176 = arith.cmpi sge, %parallel_loop3A_173, %parallel_loop3A_175 : vector<16xi32>
        %parallel_loop3A_177 = arith.constant 50176 : i32
        %parallel_loop3A_178 = vector.broadcast %parallel_loop3A_177 : i32 to vector<16xi32>
        %parallel_loop3A_179 = arith.subi %parallel_loop3A_173, %parallel_loop3A_178 : vector<16xi32>
        %parallel_loop3A_180 = arith.select %parallel_loop3A_176, %parallel_loop3A_179, %parallel_loop3A_173 : vector<16xi1>, vector<16xi32>
        %parallel_loop3A_181 = tpu.vector_load_idx %arg7[%parallel_loop3A_180] : memref<50176xf32, #tpu.memory_space<vmem>>[vector<16xi32>], vector<16xf32>,
        %parallel_loop3A_182 = vector.bitcast %parallel_loop3A_181 : vector<16xf32> to vector<16xi32>
        %parallel_loop3A_183 = arith.constant -65536 : i32
        %parallel_loop3A_184 = vector.broadcast %parallel_loop3A_183 : i32 to vector<16xi32>
        %parallel_loop3A_185 = arith.andi %parallel_loop3A_182, %parallel_loop3A_184 : vector<16xi32>
        %parallel_loop3A_186 = arith.constant 16 : i32
        %parallel_loop3A_187 = vector.broadcast %parallel_loop3A_186 : i32 to vector<16xi32>
        %parallel_loop3A_188 = arith.shli %parallel_loop3A_182, %parallel_loop3A_187 : vector<16xi32>
        %parallel_loop3A_189 = arith.select %parallel_loop3A_176, %parallel_loop3A_185, %parallel_loop3A_188 : vector<16xi1>, vector<16xi32>
        %parallel_loop3A_190 = arith.index_cast %parallel_loop3A_171 : i32 to index
        %parallel_loop3A_191 = tpu.vector_load %arg11[%parallel_loop3A_190] {strides = array<i32>} : memref<10000xf32, #tpu.memory_space<vmem>>, vector<16xf32>,
        %parallel_loop3A_192 = vector.bitcast %parallel_loop3A_189 : vector<16xi32> to vector<16xf32>
        %parallel_loop3A_193 = arith.mulf %parallel_loop3A_191, %parallel_loop3A_192 : vector<16xf32>
        %parallel_loop3A_194 = arith.index_cast %parallel_loop3A_171 : i32 to index
        %parallel_loop3A_195 = tpu.vector_load %arg11[%parallel_loop3A_194] {strides = array<i32>} : memref<10000xf32, #tpu.memory_space<vmem>>, vector<16xf32>,
        tpu.vector_store %arg11[%parallel_loop3A_194], %parallel_loop3A_193 {strides = array<i32>} : memref<10000xf32, #tpu.memory_space<vmem>>, vector<16xf32>,
      } {sc.loop_unroll_factor = 10 : i64, sc.parallel_access}
      %dma_start3A_167 = tpu.memref_slice %arg5[%add3A_151] : memref<6400000xf32, #tpu.memory_space<hbm>> -> memref<10000xf32, #tpu.memory_space<hbm>>
      %dma_start3A_168 = tpu.memref_slice %arg5[%add3A_151] : memref<6400000xf32, #tpu.memory_space<hbm>> -> memref<10000xf32, #tpu.memory_space<hbm>>
      tpu.enqueue_dma source(%arg11 : memref<10000xf32, #tpu.memory_space<vmem>>) target(%dma_start3A_168 : memref<10000xf32, #tpu.memory_space<hbm>>) target_semaphore(%arg26 : memref<!tpu.dma_semaphore, #tpu.memory_space<semaphore_mem>>)
    }
    %scan3A_58 = arith.constant 5 : i32
    %add3A_59 = arith.constant 160000 : i32
    %add3A_60 = arith.addi %mul3A_2, %add3A_59 : i32
    %dma_wait3A_61 = tpu.memref_slice %arg5[%add3A_60] : memref<6400000xf32, #tpu.memory_space<hbm>> -> memref<10000xf32, #tpu.memory_space<hbm>>
    %dma_wait3A_62 = tpu.memref_slice %arg5[%add3A_60] : memref<6400000xf32, #tpu.memory_space<hbm>> -> memref<10000xf32, #tpu.memory_space<hbm>>
    tpu.wait_dma2 semaphore(%arg27 : memref<!tpu.dma_semaphore, #tpu.memory_space<semaphore_mem>>) src(%arg13 : memref<10000xf32, #tpu.memory_space<vmem>>) dst(%dma_wait3A_62 : memref<10000xf32, #tpu.memory_space<hbm>>)
    %add3A_63 = arith.constant 170000 : i32
    %add3A_64 = arith.addi %mul3A_2, %add3A_63 : i32
    %dma_wait3A_65 = tpu.memref_slice %arg5[%add3A_64] : memref<6400000xf32, #tpu.memory_space<hbm>> -> memref<10000xf32, #tpu.memory_space<hbm>>
    %dma_wait3A_66 = tpu.memref_slice %arg5[%add3A_64] : memref<6400000xf32, #tpu.memory_space<hbm>> -> memref<10000xf32, #tpu.memory_space<hbm>>
    tpu.wait_dma2 semaphore(%arg28 : memref<!tpu.dma_semaphore, #tpu.memory_space<semaphore_mem>>) src(%arg15 : memref<10000xf32, #tpu.memory_space<vmem>>) dst(%dma_wait3A_66 : memref<10000xf32, #tpu.memory_space<hbm>>)
    %add3A_67 = arith.constant 180000 : i32
    %add3A_68 = arith.addi %mul3A_2, %add3A_67 : i32
    %dma_wait3A_69 = tpu.memref_slice %arg5[%add3A_68] : memref<6400000xf32, #tpu.memory_space<hbm>> -> memref<10000xf32, #tpu.memory_space<hbm>>
    %dma_wait3A_70 = tpu.memref_slice %arg5[%add3A_68] : memref<6400000xf32, #tpu.memory_space<hbm>> -> memref<10000xf32, #tpu.memory_space<hbm>>
    tpu.wait_dma2 semaphore(%arg25 : memref<!tpu.dma_semaphore, #tpu.memory_space<semaphore_mem>>) src(%arg9 : memref<10000xf32, #tpu.memory_space<vmem>>) dst(%dma_wait3A_70 : memref<10000xf32, #tpu.memory_space<hbm>>)
    %add3A_71 = arith.constant 190000 : i32
    %add3A_72 = arith.addi %mul3A_2, %add3A_71 : i32
    %dma_wait3A_73 = tpu.memref_slice %arg5[%add3A_72] : memref<6400000xf32, #tpu.memory_space<hbm>> -> memref<10000xf32, #tpu.memory_space<hbm>>
    %dma_wait3A_74 = tpu.memref_slice %arg5[%add3A_72] : memref<6400000xf32, #tpu.memory_space<hbm>> -> memref<10000xf32, #tpu.memory_space<hbm>>
    tpu.wait_dma2 semaphore(%arg26 : memref<!tpu.dma_semaphore, #tpu.memory_space<semaphore_mem>>) src(%arg11 : memref<10000xf32, #tpu.memory_space<vmem>>) dst(%dma_wait3A_74 : memref<10000xf32, #tpu.memory_space<hbm>>)
    return
  }
}

</mosaic_0001>

<sc_bundles>
// kernel: kernel.3.cloned.1.call-start
scs
__scs_entry_jumppad:
0x0: {  	(pc) =	sbr.rel $0x88, $3  }
0x1: {  	(tag) =	ssettag $0x0;
	lr =	simm.s32 $0x1  }
0x2: {  	[smem:$0x3F9E] =	sst lr;
	_ =	strace $0xD0000000  }
0x3: {  	_ = 	snop  }
0x4: {  	_ = 	snop  }
0x5: {  	_ = 	snop  }
0x6: {  	_ = 	snop  }
0x7: {  	_ = 	snop  }
__scs_overlays_trampoline_lowered:
0x8: {  	[smem:$0x3FAD] =	sst s0  }
0x9: {  	[smem:$0x3FAE] =	sst s1  }
0xa: {  	[smem:$0x3FAF] =	sst s2  }
0xb: {  	[smem:$0x3FB0] =	sst s3  }
0xc: {  	[smem:$0x3FB1] =	sst s4  }
0xd: {  	[smem:$0x3FB2] =	sst s5  }
0xe: {  	[smem:$0x3FB3] =	sst s6  }
0xf: {  	[smem:$0x3FB4] =	sst s7  }
0x10: {  	[smem:$0x3FB5] =	sst s8  }
0x11: {  	[smem:$0x3FB6] =	sst s9;
	s0 =	simm.s32 @!p0 $0x0  }
0x12: {  	s1 =	sld [smem:$0x3F9C];
	s0 =	simm.s32 @p0 $0x1  }
0x13: {  	[smem:$0x3FB7] =	sst s0;
	s0 =	simm.s32 @!p1 $0x0  }
0x14: {  	s2 =	sld [smem:$0x3F9B];
	s0 =	simm.s32 @p1 $0x1  }
0x15: {  	[smem:$0x3FB8] =	sst s0;
	s0 =	simm.s32 @!p2 $0x0  }
0x16: {  	s3 =	sld [smem:$0x3FDB];
	s0 =	simm.s32 @p2 $0x1  }
0x17: {  	s4 =	simm.s32 $0x1BF5;
	[smem:$0x3FBA] =	sst s0  }
0x18: {  	s0 =	sld [smem:$0x3F9D];
	_ =	swait.ge [sflag:s4], $0x0  }
0x19: {  	s7 =	sld [smem:$0x3F9E]  }
0x1a: {  	s8 =	sadd.s32 $0xFFFFE003, lr  }
0x1b: {  	s9 =	sadd.s32 $0xFFFFFEF7, lr;
	s5 =	simm.s32 $0xFFFFFFFF;
	p2 =	slt.u32 s8, $0xFFFFF086  }
0x1c: {  	p1 =	slt.u32 s9, $0xF7A;
	s5 =	simm.s32 @!p2 $0x0  }
0x1d: {  	s5 =	simm.s32 @p1 $0x1;
	p0 =	seq.s32 s7, s2  }
0x1e: {  	s7 =	smul.u32 @!p0 $0xF7A, s2;
	p2 =	seq.s32 @!p0 s5, $0x0  }
0x1f: {  	s9 =	smul.u32 $0xF7A, s1;
	s8 =	simm.s32 @!p0 $0x1BF5;
	p2 =	por !p2, p0  }
0x20: {  	[sflag:s8] =	ssyncset.s32 @!p0 $0xFFFFF086;
	s6 =	sadd.s32 @!p0 s3, s7;
	s7 =	simm.s32 @!p0 $0x108  }
0x21: {  	s3 =	sadd.s32 s3, s9;
	s6 =	sadd.s32 @!p0 $0x88, s6;
	s7 =	simm.s32 @p2 $0x1082  }
0x22: {  	[simem:s7], [sflag:s8] =	dma.local @!p0 [hbm:s6], $0xF7A  }
0x23: {  	s9 =	sor.u32 $0xD0000000, s2;
	s6 =	simm.s32 $0x108;
	_ =	swait.ge @!p0 [sflag:s8], $0x0  }
0x24: {  	s3 =	sadd.s32 $0x88, s3;
	s6 =	simm.s32 @!p1 $0x1082;
	[sflag:s4] =	ssyncset.s32 $0xFFFFF086  }
0x25: {  	[simem:s6], [sflag:s4] =	dma.local [hbm:s3], $0xF7A  }
0x26: {  	[smem:$0x3F9E] =	sst s1;
	(tag) =	ssettag s2;
	_ =	strace s9  }
0x27: {  	s1 =	sld [smem:$0x3FAE]  }
0x28: {  	s2 =	sld [smem:$0x3FAF]  }
0x29: {  	s4 =	sld [smem:$0x3FB1]  }
0x2a: {  	p0 =	seq.s32 s5, $0x0;
	s5 =	sld [smem:$0x3FB2]  }
0x2b: {  	s6 =	sld [smem:$0x3FB3]  }
0x2c: {  	s7 =	sld [smem:$0x3FB4]  }
0x2d: {  	s3 =	simm.s32 $0x108;
	s8 =	sld [smem:$0x3FB5]  }
0x2e: {  	s3 =	simm.s32 @!p0 $0x1082;
	s9 =	sld [smem:$0x3FB6]  }
0x2f: {  	lr =	sadd.s32 s0, s3;
	s0 =	sld [smem:$0x3FAD]  }
0x30: {  	s3 =	sld [smem:$0x3FB0]  }
0x31: {  	[smem:$0x3FB9] =	sst s10  }
0x32: {  	s10 =	sld [smem:$0x3FB7];
	_ =	sdelay $0x3  }
0x33: {  	p0 =	seq.s32 s10, $0x1;
	s10 =	sld [smem:$0x3FB9];
	_ =	sdelay $0x3  }
0x34: {  	[smem:$0x3FB9] =	sst s10  }
0x35: {  	s10 =	sld [smem:$0x3FB8];
	_ =	sdelay $0x3  }
0x36: {  	p1 =	seq.s32 s10, $0x1;
	s10 =	sld [smem:$0x3FB9];
	_ =	sdelay $0x3  }
0x37: {  	[smem:$0x3FB9] =	sst s10  }
0x38: {  	s10 =	sld [smem:$0x3FBA]  }
0x39: {  	_ = 	snop;
	(pc) =	sbr.ind lr, $3  }
0x3a: {  	_ = 	snop  }
0x3b: {  	_ = 	snop  }
0x3c: {  	p2 =	seq.s32 s10, $0x1;
	s10 =	sld [smem:$0x3FB9]  }
0x3d: {  	_ =	shalt  }
0x3e: {  	_ =	shalt  }
0x3f: {  	_ =	shalt  }
0x40: {  	_ =	shalt  }
0x41: {  	_ =	shalt  }
0x42: {  	_ =	shalt  }
0x43: {  	_ =	shalt  }
0x44: {  	_ =	shalt  }
0x45: {  	_ =	shalt  }
0x46: {  	_ =	shalt  }
0x47: {  	_ =	shalt  }
0x48: {  	_ =	shalt  }
0x49: {  	_ =	shalt  }
0x4a: {  	_ =	shalt  }
0x4b: {  	_ =	shalt  }
0x4c: {  	_ =	shalt  }
0x4d: {  	_ =	shalt  }
0x4e: {  	_ =	shalt  }
0x4f: {  	_ =	shalt  }
0x50: {  	_ =	shalt  }
0x51: {  	_ =	shalt  }
0x52: {  	_ =	shalt  }
0x53: {  	_ =	shalt  }
0x54: {  	_ =	shalt  }
0x55: {  	_ =	shalt  }
0x56: {  	_ =	shalt  }
0x57: {  	_ =	shalt  }
0x58: {  	_ =	shalt  }
0x59: {  	_ =	shalt  }
0x5a: {  	_ =	shalt  }
0x5b: {  	_ =	shalt  }
0x5c: {  	_ =	shalt  }
0x5d: {  	_ =	shalt  }
0x5e: {  	_ =	shalt  }
0x5f: {  	_ =	shalt  }
0x60: {  	_ =	shalt  }
0x61: {  	_ =	shalt  }
0x62: {  	_ =	shalt  }
0x63: {  	_ =	shalt  }
0x64: {  	_ =	shalt  }
0x65: {  	_ =	shalt  }
0x66: {  	_ =	shalt  }
0x67: {  	_ =	shalt  }
0x68: {  	_ =	shalt  }
0x69: {  	_ =	shalt  }
0x6a: {  	_ =	shalt  }
0x6b: {  	_ =	shalt  }
0x6c: {  	_ =	shalt  }
0x6d: {  	_ =	shalt  }
0x6e: {  	_ =	shalt  }
0x6f: {  	_ =	shalt  }
0x70: {  	_ =	shalt  }
0x71: {  	_ =	shalt  }
0x72: {  	_ =	shalt  }
0x73: {  	_ =	shalt  }
0x74: {  	_ =	shalt  }
0x75: {  	_ =	shalt  }
0x76: {  	_ =	shalt  }
0x77: {  	_ =	shalt  }
0x78: {  	_ =	shalt  }
0x79: {  	_ =	shalt  }
0x7a: {  	_ =	shalt  }
0x7b: {  	_ =	shalt  }
0x7c: {  	_ =	shalt  }
0x7d: {  	_ =	shalt  }
0x7e: {  	_ =	shalt  }
0x7f: {  	_ =	shalt  }
0x80: {  	_ =	shalt  }
0x81: {  	_ =	shalt  }
0x82: {  	_ =	shalt  }
0x83: {  	_ =	shalt  }
0x84: {  	_ =	shalt  }
0x85: {  	_ =	shalt  }
0x86: {  	_ =	shalt  }
0x87: {  	_ =	shalt  }
.Lfunc_end0:
.L_simem_size_0:
called_computation_lowered:
.L_overlay_start_0:
0x88: {  	s2 =	sld [smem:$0x3FD9]  }
0x89: {  	s3 =	sld [smem:$0x3FFE];
	_ =	sdelay $0x1  }
0x8a: {  	s1 =	srdreg.scid  }
0x8b: {  	s0 =	sand.u32 $0x1, s1  }
0x8c: {  	s17 =	sshll.u32 s0, $0xA;
	s2 =	sadd.s32 s3, s2  }
0x8d: {  	s2 =	sadd.s32 s2, s17  }
0x8e: {  	[smem:$0x3FC5] =	sst s2  }
0x8f: {  	_ = 	snop  }
0x90: {  	s2 =	sld [smem:$0x3FC9]  }
0x91: {  	s18 =	sld [smem:$0x3FC8]  }
0x92: {  	s4 =	sld [smem:$0x3FD0];
	(tm) =	ssettm $0x1  }
0x93: {  	s5 =	sld [smem:$0x3FFB];
	_ =	sdelay $0x3  }
0x94: {  	_ =	strace s5  }
0x95: {  	s5 =	sld [smem:$0x3FFC];
	_ =	sdelay $0x3  }
0x96: {  	_ =	strace s5  }
0x97: {  	s5 =	sld [smem:$0x3FFD];
	_ =	sdelay $0x3  }
0x98: {  	_ =	strace s5  }
0x99: {  	_ =	strace $0x8FFFFFFF  }
0x9a: {  	s19 =	sld [smem:$0x3FDB];
	_ =	sdelay $0x1  }
0x9b: {  	s6 =	simm.s32 $_scs_section_size  }
0x9c: {  	s7 =	simm.s32 $_size__tile_overlayer_lowered;
	s8 =	simm.s32 $_tile_overlayer_lowered  }
0x9d: {  	s22 =	simm.s32 $0x1BFF;
	s21 =	sshll.u32 s8, $0x1;
	s5 =	sadd.s32 s6, s19  }
0x9e: {  	s9 =	simm.s32 $0x0;
	s20 =	sshll.u32 s7, $0x1;
	s7 =	sadd.s32 s21, s5  }
0x9f: {  	[timem:s9], [sflag:s22] =	dma.local [hbm:s7], s20  }
0xa0: {  	_ =	swait.ge [sflag:s22], s20  }
0xa1: {  	s6 =	ssub.s32 $0x0, s20;
	[sflag:s22] =	ssyncset.done $0x0  }
0xa2: {  	[sflag:s22] =	ssyncadd.s32 s6;
	_ =	sdelay $0x1  }
0xa3: {  	s23 =	simm.s32 $0x1B8B  }
0xa4: {  	_ =	swait.ge [sflag:s23], $0x1  }
0xa5: {  	[sflag:s23] =	ssyncset.done $0x0  }
0xa6: {  	s25 =	simm.s32 $0x1B8E;
	s24 =	sld [smem:$0x3FFE];
	[sflag:s23] =	ssyncadd.s32 $0xFFFFFFFF  }
0xa7: {  	s26 =	simm.s32 $execute0_lowered;
	[smem:$0x3FD2] =	sst s25  }
0xa8: {  	s7 =	sshll.u32 s26, $0x1;
	_ =	strace $0x80000046;
	[dreg:$0x1] =	wrdreg $0xFFFFFFFF  }
0xa9: {  	s28 =	simm.s32 $_size_execute0_lowered;
	s5 =	sadd.s32 s5, s7;
	[dreg:$0x0] =	wrdreg $0x0  }
0xaa: {  	s7 =	sshll.u32 s28, $0x1;
	[dreg:$0x2] =	wrdreg s5  }
0xab: {  	[dreg:$0x3] =	wrdreg s7  }
0xac: {  	[dreg:$0x4] =	wrdreg $0xC0  }
0xad: {  	_ =	task [dreg:s9], $0x5FFFF  }
0xae: {  	[dreg:$0x1] =	wrdreg $0xFFFFFFFF  }
0xaf: {  	[dreg:$0x0] =	wrdreg $0x60  }
0xb0: {  	[dreg:$0x2] =	wrdreg s24  }
0xb1: {  	[dreg:$0x3] =	wrdreg s18  }
0xb2: {  	[dreg:$0x4] =	wrdreg s2  }
0xb3: {  	[dreg:$0x5] =	wrdreg s4  }
0xb4: {  	[dreg:$0x6] =	wrdreg $0x9  }
0xb5: {  	_ =	task.clear_ibuf [dreg:s9], $0x7FFFF;
	_ =	strace $0x90000046  }
0xb6: {  	s29 =	simm.s32 $0x9;
	_ =	strace $0x80000048  }
0xb7: {  	_ =	swait.ge [sflag:s29], $0x1  }
0xb8: {  	[sflag:s29] =	ssyncadd.s32 $0xFFFFFFFF  }
0xb9: {  	_ =	strace $0x90000048  }
0xba: {  	_ =	sfence  }
0xbb: {  	s30 =	sld [smem:$0x0];
	_ =	sdelay $0x2  }
0xbc: {  	s31 =	sshll.u32 s1, $0xD;
	s1 =	sshrl.u32 s1, $0x2  }
0xbd: {  	s3 =	sand.u32 $0x4000, s31;
	s1 =	sadd.s32 s1, s30  }
0xbe: {  	s0 =	sor.u32 s3, s0;
	s1 =	sshll.u32 s1, $0x11  }
0xbf: {  	s0 =	sor.u32 s1, s0  }
0xc0: {  	s0 =	sadd.s32 $0x8F2B, s0  }
0xc1: {  	[sflag:s0] =	ssyncadd.remote.s32 $0x1  }
0xc2: {  	_ =	sfence.sel $0xFFFF  }
0xc3: {  	[dreg:$0x0] =	wrdreg $0xFFFFFFFF;
	(pc) =	sbr.abs _section_cstart, $3  }
0xc4: {  	[dreg:$0x1] =	wrdreg $0xFFFFFFFF  }
0xc5: {  	_ =	task.clear_ibuf [dreg:s9], $0x2FFFF;
	_ =	strace $0x9FFFFFFF  }
0xc6: {  	(tm) =	ssettm $0x7FFFFFFF  }
0xc7: {  	_ =	shalt  }
tec
execute0_lowered:
.L_overlay_start_1:
0x0: {  	(tag) =	ssettag $0x1  }
0x1: {  	s0 =	rddreg [dreg:$0x0]  }
0x2: {  	s1 =	rddreg [dreg:$0x1]  }
0x3: {  	s2 =	rddreg [dreg:$0x2]  }
0x4: {  	s4 =	rddreg [dreg:$0x3];
	s5 =	simm.s32 $0x0;
	s6 =	stileid.u32  }
0x5: {  	s3 =	srdreg.scid;
	s23 =	simm.s32 $0x1D880;
	s24 =	simm.s32 $0xEB80  }
0x6: {  	s25 =	simm.s32 $0x13A80;
	s28 =	simm.s32 $0x3;
	s22 =	simm.s32 $0x5  }
0x7: {  	s13 =	simm.s32 $0x0;
	[smem:$0x7FF] =	sst s5;
	s8 =	smul.u32 $0xC40, s6  }
0x8: {  	s3 =	sand.u32 $0x1, s3;
	s6 =	sshll.u32 s6, $0x1;
	_ =	strace $0x80000047  }
0x9: {  	s7 =	ssub.s32 $0x2, s3;
	s6 =	sor.u32 s3, s6;
	s3 =	smul.u32 $0xC400, s3  }
0xa: {  	s9 =	sshrl.u32 s8, $0x3;
	s10 =	sshrl.u32 s7, $0x1;
	s6 =	smul.u32 $0x30D40, s6  }
0xb: {  	s9 =	sadd.s32 s9, s0;
	s0 =	sadd.s32 $0x3A00, s0;
	s10 =	ssub.s32 s7, s10  }
0xc: {  	s8 =	sadd.s32 s8, s3;
	s3 =	sshrl.u32 s3, $0x3;
	s11 =	sshrl.u32 s6, $0x3  }
0xd: {  	s7 =	sadd.s32 $0x2710, s6;
	s30 =	sadd.s32 $0x800, s9;
	s8 =	sshrl.u32 s8, $0x3  }
0xe: {  	s9 =	sadd.s32 $0x2080, s9;
	s16 =	sadd.s32 $0x30D40, s6;
	[dreg:$0x9] =	wrdreg s30  }
0xf: {  	s17 =	sadd.s32 $0x4E20, s6;
	s31 =	smax.u32 s10, $0x1;
	[dreg:$0xa] =	wrdreg s9  }
0x10: {  	s18 =	sadd.s32 $0x7530, s6;
	s12 =	sadd.s32 s1, s11;
	[dreg:$0xd] =	wrdreg s31  }
0x11: {  	s10 =	simm.s32 $0x7;
	s11 =	sadd.s32 s2, s11;
	[dreg:$0x5] =	wrdreg s12  }
0x12: {  	s26 =	sshrl.u32 s7, $0x3;
	s8 =	sadd.s32 s0, s8;
	[dreg:$0x6] =	wrdreg s11  }
0x13: {  	s0 =	sadd.s32 s0, s3;
	s3 =	simm.s32 $0x8;
	[dreg:$0xb] =	wrdreg s8  }
0x14: {  	s9 =	simm.s32 $0x6;
	s29 =	sadd.s32 s1, s26;
	[dreg:$0xc] =	wrdreg s0  }
0x15: {  	s11 =	sadd.s32 s2, s26;
	s26 =	simm.s32 $0x2;
	[dreg:$0x7] =	wrdreg s29  }
0x16: {  	s0 =	simm.s32 $0x4;
	s8 =	simm.s32 $0x9;
	[dreg:$0x8] =	wrdreg s11  }
.LBB2_1:
0x17: {  	[dreg:$0xe] =	wrdreg s13  }
0x18: {  	s11 =	rddreg [dreg:$0x5];
	s12 =	simm.s32 $0x16200  }
0x19: {  	[tilespmem:s12], [sflag:$0x4] =	stream.linear.gather [hbm4b:s11+s5], $0x2710, $0x38;
	v63 =	vld [tilespmem:$0x0]  }
0x1a: {  	s13 =	simm.s32 $0x18980;
	s12 =	rddreg [dreg:$0x6]  }
0x1b: {  	[tilespmem:s13], [sflag:$0x8] =	stream.linear.gather [hbm4b:s12+s5], $0x2710, $0x38;
	v63 =	vld [tilespmem:$0x0]  }
0x1c: {  	s14 =	rddreg [dreg:$0x7];
	s15 =	simm.s32 $0x1B100  }
0x1d: {  	[tilespmem:s15], [sflag:$0x5] =	stream.linear.gather [hbm4b:s14+s5], $0x2710, $0x38;
	v63 =	vld [tilespmem:$0x0]  }
0x1e: {  	s19 =	rddreg [dreg:$0x8]  }
0x1f: {  	[tilespmem:s23], [sflag:$0x9] =	stream.linear.gather [hbm4b:s19+s5], $0x2710, $0x38;
	v63 =	vld [tilespmem:$0x0]  }
0x20: {  	s20 =	rddreg [dreg:$0x9]  }
0x21: {  	[tilespmem:s24], [sflag:$0x2] =	stream.linear.gather [hbm4b:s20+s5], $0xC40, $0x38;
	v63 =	vld [tilespmem:$0x0]  }
0x22: {  	s21 =	rddreg [dreg:$0xa]  }
0x23: {  	[tilespmem:s25], [sflag:$0x3] =	stream.linear.gather [hbm4b:s21+s5], $0xC40, $0x38;
	v63 =	vld [tilespmem:$0x0]  }
0x24: {  	_ =	swait.ge [sflag:s26], $0xC40  }
0x25: {  	[sflag:s26] =	ssyncset.done $0x0  }
0x26: {  	[sflag:s26] =	ssyncadd.s32 $0xFFFFF3C0  }
0x27: {  	_ =	swait.ge [sflag:s28], $0xC40  }
0x28: {  	[sflag:s28] =	ssyncset.done $0x0  }
0x29: {  	s19 =	simm.s32 $0xEBA0;
	[sflag:s28] =	ssyncadd.s32 $0xFFFFF3C0  }
0x2a: {  	v0 =	vld [tilespmem:s19+$0x10]  }
0x2b: {  	s31 =	simm.s32 $0x13AA0  }
0x2c: {  	v1 =	vld [tilespmem:s31+$0x10]  }
0x2d: {  	v2 =	vld [tilespmem:s31+$0xFFFFFFE0]  }
0x2e: {  	v3 =	vld [tilespmem:s19+$0xFFFFFFF0]  }
0x2f: {  	v4 =	vld [tilespmem:s31+$0xFFFFFFF0];
	v0 =	vmax.f32 v0, $9.999999970e-07  }
0x30: {  	v5 =	vld [tilespmem:s19+$0x0];
	(erf) = vrcp.f32 v0  }
0x31: {  	v1 =	vmax.f32 v1, $9.999999970e-07;
	v0 =	vld [tilespmem:s19+$0xFFFFFFE0]  }
0x32: {  	v6 =	vld [tilespmem:s31+$0x0];
	v2 =	vmax.f32 v2, $9.999999970e-07;
	(erf) = vrcp.f32 v1  }
0x33: {  	v1 =	vmax.f32 v3, $9.999999970e-07;
	(erf) = vrcp.f32 v2  }
0x34: {  	(erf) = vrcp.f32 v1  }
0x35: {  	v2 =	vmax.f32 v4, $9.999999970e-07  }
0x36: {  	v1 =	vmax.f32 v5, $9.999999970e-07;
	(erf) = vrcp.f32 v2;
	v0 =	vmax.f32 v0, $9.999999970e-07  }
0x37: {  	v2 =	vmax.f32 v6, $9.999999970e-07;
	(erf) = vrcp.f32 v1  }
0x38: {  	(erf) = vrcp.f32 v2  }
0x39: {  	(erf) = vrcp.f32 v0;
	v0 =	vpop (erf)  }
0x3a: {  	v0 =	vmul.f32 $5.000000070e-02, v0  }
0x3b: {  	v1 =	vpop (erf)  }
0x3c: {  	v1 =	vmul.f32 $5.000000070e-02, v1;
	v2 =	vpop (erf);
	v3 =	vand.u32 $0x7FFFFF, v0  }
0x3d: {  	v4 =	vpop (erf);
	v2 =	vmul.f32 $5.000000070e-02, v2;
	v0 =	vshra.s32 v0, $0x17;
	v3 =	vor.u32 $0x3F800000, v3  }
0x3e: {  	v5 =	vand.u32 $0x7FFFFF, v1;
	v4 =	vmul.f32 $5.000000070e-02, v4;
	v0 =	vadd.s32 $0xFFFFFF81, v0  }
0x3f: {  	v6 =	vpop (erf);
	v1 =	vshra.s32 v1, $0x17;
	v7 =	vmul.f32 $7.915037120e-02, v3;
	v5 =	vor.u32 $0x3F800000, v5  }
0x40: {  	v6 =	vmul.f32 $5.000000070e-02, v6;
	v9 =	vand.u32 $0x7FFFFF, v2;
	v0 =	vcvt.s32.f32 v0  }
0x41: {  	v8 =	vpop (erf);
	v1 =	vadd.s32 $0xFFFFFF81, v1;
	v2 =	vshra.s32 v2, $0x17;
	v10 =	vmul.f32 $7.915037120e-02, v5  }
0x42: {  	v8 =	vmul.f32 $5.000000070e-02, v8;
	v12 =	vand.u32 $0x7FFFFF, v4;
	v9 =	vor.u32 $0x3F800000, v9  }
0x43: {  	v11 =	vpop (erf);
	v1 =	vcvt.s32.f32 v1;
	v4 =	vshra.s32 v4, $0x17;
	v2 =	vadd.s32 $0xFFFFFF81, v2  }
0x44: {  	v7 =	vsub.f32 $6.288157100e-01, v7;
	v11 =	vmul.f32 $5.000000070e-02, v11;
	v14 =	vand.u32 $0x7FFFFF, v6  }
0x45: {  	v12 =	vor.u32 $0x3F800000, v12;
	v19 =	vmul.f32 $7.915037120e-02, v9;
	v6 =	vshra.s32 v6, $0x17  }
0x46: {  	v13 =	vpop (erf);
	v4 =	vadd.s32 $0xFFFFFF81, v4;
	v2 =	vcvt.s32.f32 v2;
	v10 =	vsub.f32 $6.288157100e-01, v10  }
0x47: {  	v13 =	vmul.f32 $5.000000070e-02, v13;
	v15 =	vand.u32 $0x7FFFFF, v8;
	v7 =	vmul.f32 v3, v7  }
0x48: {  	v14 =	vor.u32 $0x3F800000, v14;
	v20 =	vmul.f32 $7.915037120e-02, v12;
	v10 =	vmul.f32 v5, v10  }
0x49: {  	v8 =	vshra.s32 v8, $0x17;
	v6 =	vadd.s32 $0xFFFFFF81, v6;
	v7 =	vadd.f32 $-2.081060170e+00, v7  }
0x4a: {  	v4 =	vcvt.s32.f32 v4;
	v16 =	vand.u32 $0x7FFFFF, v11;
	v10 =	vadd.f32 $-2.081060170e+00, v10  }
0x4b: {  	v15 =	vor.u32 $0x3F800000, v15;
	v21 =	vmul.f32 $7.915037120e-02, v14;
	v7 =	vmul.f32 v3, v7  }
0x4c: {  	v11 =	vshra.s32 v11, $0x17;
	v8 =	vadd.s32 $0xFFFFFF81, v8;
	v10 =	vmul.f32 v5, v10  }
0x4d: {  	v6 =	vcvt.s32.f32 v6;
	v17 =	vand.u32 $0x7FFFFF, v13;
	v7 =	vadd.f32 $4.028372760e+00, v7  }
0x4e: {  	v16 =	vor.u32 $0x3F800000, v16;
	v17 =	vor.u32 $0x3F800000, v17;
	v10 =	vadd.f32 $4.028372760e+00, v10  }
0x4f: {  	v13 =	vshra.s32 v13, $0x17;
	v18 =	vmul.f32 $7.915037120e-02, v17;
	v3 =	vmul.f32 v3, v7  }
0x50: {  	v56 =	vsub.f32 $6.288157100e-01, v20;
	v57 =	vsub.f32 $6.288157100e-01, v21;
	v5 =	vmul.f32 v5, v10  }
0x51: {  	v18 =	vsub.f32 $6.288157100e-01, v18;
	v10 =	vmul.f32 $7.915037120e-02, v16;
	v3 =	vadd.f32 $-2.496773720e+00, v3  }
0x52: {  	v22 =	vmul.f32 $7.915037120e-02, v15;
	v7 =	vsub.f32 $6.288157100e-01, v19;
	v5 =	vadd.f32 $-2.496773720e+00, v5  }
0x53: {  	v19 =	vmul.f32 v12, v56;
	v10 =	vsub.f32 $6.288157100e-01, v10;
	v0 =	vadd.f32 v0, v3  }
0x54: {  	v3 =	vmul.f32 v17, v18;
	v18 =	vmul.f32 v14, v57;
	v1 =	vadd.f32 v1, v5  }
0x55: {  	v5 =	vmul.f32 v9, v7;
	v7 =	vsub.f32 $6.288157100e-01, v22;
	v0 =	vmul.f32 $6.931471820e-01, v0  }
0x56: {  	v19 =	vadd.f32 $-2.081060170e+00, v19;
	v10 =	vmul.f32 v16, v10;
	v1 =	vmul.f32 $6.931471820e-01, v1  }
0x57: {  	v3 =	vadd.f32 $-2.081060170e+00, v3;
	v7 =	vmul.f32 v15, v7;
	v0 =	vmul.f32 $1.000000010e-01, v0  }
0x58: {  	v18 =	vadd.f32 $-2.081060170e+00, v18;
	v5 =	vadd.f32 $-2.081060170e+00, v5;
	v1 =	vmul.f32 $1.000000010e-01, v1  }
0x59: {  	v3 =	vmul.f32 v17, v3;
	v7 =	vadd.f32 $-2.081060170e+00, v7;
	v0 =	vmul.f32 $1.442695020e+00, v0  }
0x5a: {  	v10 =	vadd.f32 $-2.081060170e+00, v10;
	v5 =	vmul.f32 v9, v5;
	v1 =	vmul.f32 $1.442695020e+00, v1  }
0x5b: {  	v7 =	vmul.f32 v15, v7;
	(erf) = vpow2.f32 v0;
	v0 =	vadd.f32 $4.028372760e+00, v3  }
0x5c: {  	v3 =	vmul.f32 v12, v19;
	(erf) = vpow2.f32 v1;
	v1 =	vadd.f32 $4.028372760e+00, v5  }
0x5d: {  	v10 =	vmul.f32 v16, v10;
	v5 =	vmul.f32 v14, v18;
	v7 =	vadd.f32 $4.028372760e+00, v7  }
0x5e: {  	v0 =	vmul.f32 v17, v0;
	v3 =	vadd.f32 $4.028372760e+00, v3;
	v1 =	vmul.f32 v9, v1  }
0x5f: {  	v5 =	vadd.f32 $4.028372760e+00, v5;
	v9 =	vadd.f32 $4.028372760e+00, v10;
	v7 =	vmul.f32 v15, v7  }
0x60: {  	v10 =	vadd.s32 $0xFFFFFF81, v13;
	v3 =	vmul.f32 v12, v3;
	v0 =	vadd.f32 $-2.496773720e+00, v0  }
0x61: {  	v10 =	vcvt.s32.f32 v10;
	v5 =	vmul.f32 v14, v5;
	v1 =	vadd.f32 $-2.496773720e+00, v1  }
0x62: {  	v9 =	vmul.f32 v16, v9;
	v7 =	vadd.f32 $-2.496773720e+00, v7;
	v3 =	vadd.f32 $-2.496773720e+00, v3  }
0x63: {  	v11 =	vadd.s32 $0xFFFFFF81, v11;
	v0 =	vadd.f32 v10, v0;
	v5 =	vadd.f32 $-2.496773720e+00, v5  }
0x64: {  	v8 =	vcvt.s32.f32 v8;
	v9 =	vadd.f32 $-2.496773720e+00, v9;
	v1 =	vadd.f32 v2, v1  }
0x65: {  	v2 =	vcvt.s32.f32 v11;
	v3 =	vadd.f32 v4, v3;
	v0 =	vmul.f32 $6.931471820e-01, v0  }
0x66: {  	v4 =	vadd.f32 v6, v5;
	v5 =	vadd.f32 v8, v7;
	v1 =	vmul.f32 $6.931471820e-01, v1  }
0x67: {  	v2 =	vadd.f32 v2, v9;
	v3 =	vmul.f32 $6.931471820e-01, v3;
	v0 =	vmul.f32 $1.000000010e-01, v0  }
0x68: {  	v4 =	vmul.f32 $6.931471820e-01, v4;
	v5 =	vmul.f32 $6.931471820e-01, v5  }
0x69: {  	v2 =	vmul.f32 $6.931471820e-01, v2;
	v1 =	vmul.f32 $1.000000010e-01, v1  }
0x6a: {  	v3 =	vmul.f32 $1.000000010e-01, v3;
	v0 =	vmul.f32 $1.442695020e+00, v0  }
0x6b: {  	v4 =	vmul.f32 $1.000000010e-01, v4;
	v5 =	vmul.f32 $1.000000010e-01, v5  }
0x6c: {  	v6 =	vpop (erf);
	v2 =	vmul.f32 $1.000000010e-01, v2;
	v1 =	vmul.f32 $1.442695020e+00, v1  }
0x6d: {  	s29 =	simm.s32 $0xEBE0;
	v6 =	vmax.f32 v6, $5.000000000e-01;
	v3 =	vmul.f32 $1.442695020e+00, v3;
	(erf) = vpow2.f32 v0  }
0x6e: {  	v7 =	vpop (erf);
	v6 =	vmin.f32 v6, $2.000000000e+00;
	v4 =	vmul.f32 $1.442695020e+00, v4;
	(erf) = vpow2.f32 v1;
	v1 =	vld [tilespmem:s29+$0x10]  }
0x6f: {  	s30 =	simm.s32 $0x13AE0;
	v0 =	vmax.f32 v7, $5.000000000e-01;
	v5 =	vmul.f32 $1.442695020e+00, v5;
	(erf) = vpow2.f32 v3  }
0x70: {  	v0 =	vmin.f32 v0, $2.000000000e+00;
	v2 =	vmul.f32 $1.442695020e+00, v2;
	v3 =	vld [tilespmem:s30+$0x10];
	(erf) = vpow2.f32 v4  }
0x71: {  	v8 =	vld [tilespmem:s30+$0xFFFFFFE0];
	v7 =	vshrl.u32 v0, $0x10;
	v4 =	vshrl.u32 v6, $0x10;
	(erf) = vpow2.f32 v5  }
0x72: {  	v4 =	vand.u32 $0x1, v4;
	v5 =	vand.u32 $0x1, v7;
	v7 =	vld [tilespmem:s29+$0xFFFFFFF0];
	(erf) = vpow2.f32 v2  }
0x73: {  	v2 =	vadd.s32 v4, v6;
	v0 =	vadd.s32 v5, v0;
	v4 =	vld [tilespmem:s30+$0xFFFFFFF0];
	v1 =	vmax.f32 v1, $9.999999970e-07  }
0x74: {  	v5 =	vld [tilespmem:s29+$0x0];
	v2 =	vadd.s32 $0x7FFF, v2;
	v0 =	vadd.s32 $0x7FFF, v0;
	(erf) = vrcp.f32 v1  }
0x75: {  	v1 =	vshrl.u32 v2, $0x10;
	v0 =	vand.u32 $0xFFFF0000, v0;
	v2 =	vld [tilespmem:s30+$0x0];
	v3 =	vmax.f32 v3, $9.999999970e-07  }
0x76: {  	v6 =	vmax.f32 v8, $9.999999970e-07;
	v0 =	vor.u32 v1, v0;
	v1 =	vld [tilespmem:s29+$0xFFFFFFE0]  }
0x77: {  	(erf) = vrcp.f32 v3  }
0x78: {  	v7 =	vmax.f32 v7, $9.999999970e-07;
	v3 =	vpop (erf);
	(erf) = vrcp.f32 v6;
	v4 =	vmax.f32 v4, $9.999999970e-07  }
0x79: {  	v5 =	vmax.f32 v5, $9.999999970e-07;
	v3 =	vmax.f32 v3, $5.000000000e-01;
	v6 =	vpop (erf);
	(erf) = vrcp.f32 v7  }
0x7a: {  	v7 =	vmax.f32 v6, $5.000000000e-01;
	v6 =	vpop (erf);
	(erf) = vrcp.f32 v4;
	v2 =	vmax.f32 v2, $9.999999970e-07  }
0x7b: {  	v4 =	vmax.f32 v6, $5.000000000e-01;
	v6 =	vpop (erf);
	(erf) = vrcp.f32 v5;
	v1 =	vmax.f32 v1, $9.999999970e-07  }
0x7c: {  	v8 =	vmax.f32 v6, $5.000000000e-01;
	v5 =	vpop (erf);
	(erf) = vrcp.f32 v2;
	v6 =	vmin.f32 v3, $2.000000000e+00  }
0x7d: {  	v4 =	vmin.f32 v4, $2.000000000e+00;
	v2 =	vmax.f32 v5, $5.000000000e-01;
	v5 =	vpop (erf);
	(erf) = vrcp.f32 v1  }
0x7e: {  	v3 =	vmin.f32 v8, $2.000000000e+00;
	v58 =	vshrl.u32 v6, $0x10;
	v8 =	vshrl.u32 v4, $0x10  }
0x7f: {  	v9 =	vmax.f32 v5, $5.000000000e-01;
	v5 =	vmin.f32 v7, $2.000000000e+00;
	v7 =	vpop (erf);
	v1 =	vmin.f32 v2, $2.000000000e+00  }
0x80: {  	v12 =	vand.u32 $0x1, v58;
	v8 =	vand.u32 $0x1, v8;
	v59 =	vmul.f32 $5.000000070e-02, v7  }
0x81: {  	v2 =	vmin.f32 v9, $2.000000000e+00;
	v7 =	vpop (erf);
	v11 =	vshrl.u32 v5, $0x10;
	v9 =	vshrl.u32 v3, $0x10  }
0x82: {  	v6 =	vadd.s32 v12, v6;
	v8 =	vadd.s32 v8, v4;
	v60 =	vmul.f32 $5.000000070e-02, v7  }
0x83: {  	v7 =	vshrl.u32 v1, $0x10;
	v11 =	vand.u32 $0x1, v11;
	v58 =	vand.u32 $0x1, v9  }
0x84: {  	[tilespmem:s19+$0x10] =	vst v0;
	v10 =	vpop (erf);
	v61 =	vand.u32 $0x7FFFFF, v59;
	v13 =	vshra.s32 v59, $0x17;
	v0 =	vadd.s32 v58, v3  }
0x85: {  	v62 =	vmul.f32 $5.000000070e-02, v10;
	v15 =	vor.u32 $0x3F800000, v61;
	v10 =	vshrl.u32 v2, $0x10  }
0x86: {  	v34 =	vpop (erf);
	v35 =	vand.u32 $0x7FFFFF, v60;
	v13 =	vadd.s32 $0xFFFFFF81, v13;
	v14 =	vshra.s32 v60, $0x17  }
0x87: {  	v60 =	vand.u32 $0x1, v7;
	v37 =	vmul.f32 $7.915037120e-02, v15;
	v17 =	vmul.f32 $5.000000070e-02, v34  }
0x88: {  	v36 =	vpop (erf);
	v18 =	vor.u32 $0x3F800000, v35;
	v13 =	vcvt.s32.f32 v13;
	v14 =	vadd.s32 $0xFFFFFF81, v14  }
0x89: {  	v19 =	vmul.f32 $5.000000070e-02, v36;
	v39 =	vand.u32 $0x7FFFFF, v62;
	v23 =	vmul.f32 $7.915037120e-02, v18  }
0x8a: {  	v38 =	vpop (erf);
	v14 =	vcvt.s32.f32 v14;
	v16 =	vshra.s32 v62, $0x17;
	v20 =	vsub.f32 $6.288157100e-01, v37  }
0x8b: {  	v24 =	vpop (erf);
	v21 =	vmul.f32 $5.000000070e-02, v38;
	v25 =	vand.u32 $0x7FFFFF, v17;
	v22 =	vor.u32 $0x3F800000, v39  }
0x8c: {  	v17 =	vshra.s32 v17, $0x17;
	v16 =	vadd.s32 $0xFFFFFF81, v16;
	v24 =	vmul.f32 $5.000000070e-02, v24  }
0x8d: {  	v23 =	vsub.f32 $6.288157100e-01, v23;
	v27 =	vand.u32 $0x7FFFFF, v19;
	v25 =	vor.u32 $0x3F800000, v25  }
0x8e: {  	v26 =	vpop (erf);
	v32 =	vmul.f32 $7.915037120e-02, v22;
	v19 =	vshra.s32 v19, $0x17;
	v16 =	vcvt.s32.f32 v16  }
0x8f: {  	v17 =	vadd.s32 $0xFFFFFF81, v17;
	v26 =	vmul.f32 $5.000000070e-02, v26;
	v20 =	vmul.f32 v15, v20  }
0x90: {  	v28 =	vand.u32 $0x7FFFFF, v21;
	v27 =	vor.u32 $0x3F800000, v27;
	v33 =	vmul.f32 $7.915037120e-02, v25  }
0x91: {  	v21 =	vshra.s32 v21, $0x17;
	v19 =	vadd.s32 $0xFFFFFF81, v19;
	v17 =	vcvt.s32.f32 v17  }
0x92: {  	v29 =	vand.u32 $0x7FFFFF, v24;
	v23 =	vmul.f32 v18, v23;
	v28 =	vor.u32 $0x3F800000, v28  }
0x93: {  	v34 =	vmul.f32 $7.915037120e-02, v27;
	v41 =	vsub.f32 $6.288157100e-01, v32;
	v24 =	vshra.s32 v24, $0x17  }
0x94: {  	v21 =	vadd.s32 $0xFFFFFF81, v21;
	v19 =	vcvt.s32.f32 v19;
	v20 =	vadd.f32 $-2.081060170e+00, v20  }
0x95: {  	v30 =	vand.u32 $0x7FFFFF, v26;
	v35 =	vmul.f32 $7.915037120e-02, v28;
	v42 =	vsub.f32 $6.288157100e-01, v33  }
0x96: {  	v30 =	vor.u32 $0x3F800000, v30;
	v23 =	vadd.f32 $-2.081060170e+00, v23;
	v20 =	vmul.f32 v15, v20  }
0x97: {  	v29 =	vor.u32 $0x3F800000, v29;
	v31 =	vmul.f32 $7.915037120e-02, v30;
	v32 =	vmul.f32 v25, v42  }
0x98: {  	v44 =	vsub.f32 $6.288157100e-01, v34;
	v23 =	vmul.f32 v18, v23;
	v20 =	vadd.f32 $4.028372760e+00, v20  }
0x99: {  	v40 =	vmul.f32 $7.915037120e-02, v29;
	v31 =	vsub.f32 $6.288157100e-01, v31;
	v32 =	vadd.f32 $-2.081060170e+00, v32  }
0x9a: {  	v45 =	vsub.f32 $6.288157100e-01, v35;
	v23 =	vadd.f32 $4.028372760e+00, v23;
	v15 =	vmul.f32 v15, v20  }
0x9b: {  	v31 =	vmul.f32 v30, v31;
	v20 =	vsub.f32 $6.288157100e-01, v40;
	v47 =	vmul.f32 v25, v32  }
0x9c: {  	v18 =	vmul.f32 v18, v23;
	v23 =	vmul.f32 v27, v44;
	v15 =	vadd.f32 $-2.496773720e+00, v15  }
0x9d: {  	v43 =	vmul.f32 v22, v41;
	v31 =	vadd.f32 $-2.081060170e+00, v31;
	v50 =	vadd.f32 $4.028372760e+00, v47  }
0x9e: {  	v20 =	vmul.f32 v29, v20;
	v18 =	vadd.f32 $-2.496773720e+00, v18;
	v23 =	vadd.f32 $-2.081060170e+00, v23  }
0x9f: {  	v26 =	vshra.s32 v26, $0x17;
	v13 =	vadd.f32 v13, v15;
	v15 =	vadd.f32 $-2.081060170e+00, v43  }
0xa0: {  	v31 =	vmul.f32 v30, v31;
	v20 =	vadd.f32 $-2.081060170e+00, v20;
	v51 =	vmul.f32 v25, v50  }
0xa1: {  	v14 =	vadd.f32 v14, v18;
	v18 =	vmul.f32 v28, v45;
	v49 =	vmul.f32 v27, v23  }
0xa2: {  	v24 =	vadd.s32 $0xFFFFFF81, v24;
	v13 =	vmul.f32 $6.931471820e-01, v13;
	v15 =	vmul.f32 v22, v15  }
0xa3: {  	v20 =	vmul.f32 v29, v20;
	v14 =	vmul.f32 $6.931471820e-01, v14;
	v18 =	vadd.f32 $-2.081060170e+00, v18  }
0xa4: {  	v13 =	vmul.f32 $1.000000010e-01, v13;
	v48 =	vadd.f32 $4.028372760e+00, v15;
	v15 =	vadd.f32 $4.028372760e+00, v49  }
0xa5: {  	v20 =	vadd.f32 $4.028372760e+00, v20;
	v14 =	vmul.f32 $1.000000010e-01, v14;
	v18 =	vmul.f32 v28, v18  }
0xa6: {  	v46 =	vadd.f32 $4.028372760e+00, v31;
	v13 =	vmul.f32 $1.442695020e+00, v13;
	v15 =	vmul.f32 v27, v15  }
0xa7: {  	v52 =	vadd.s32 $0xFFFFFF81, v26;
	v20 =	vmul.f32 v29, v20;
	v14 =	vmul.f32 $1.442695020e+00, v14  }
0xa8: {  	v18 =	vadd.f32 $4.028372760e+00, v18;
	(erf) = vpow2.f32 v13;
	v13 =	vmul.f32 v30, v46  }
0xa9: {  	v15 =	vadd.f32 $-2.496773720e+00, v15;
	v20 =	vadd.f32 $-2.496773720e+00, v20;
	(erf) = vpow2.f32 v14  }
0xaa: {  	v14 =	vmul.f32 v22, v48;
	v18 =	vmul.f32 v28, v18;
	v22 =	vadd.f32 $-2.496773720e+00, v51  }
0xab: {  	v23 =	vcvt.s32.f32 v52;
	v13 =	vadd.f32 $-2.496773720e+00, v13;
	v15 =	vadd.f32 v19, v15  }
0xac: {  	v21 =	vcvt.s32.f32 v21;
	v14 =	vadd.f32 $-2.496773720e+00, v14;
	v18 =	vadd.f32 $-2.496773720e+00, v18  }
0xad: {  	v57 =	vcvt.s32.f32 v24;
	v17 =	vadd.f32 v17, v22;
	v13 =	vadd.f32 v23, v13  }
0xae: {  	v15 =	vmul.f32 $6.931471820e-01, v15;
	v14 =	vadd.f32 v16, v14;
	v18 =	vadd.f32 v21, v18  }
0xaf: {  	v16 =	vadd.f32 v57, v20;
	v17 =	vmul.f32 $6.931471820e-01, v17;
	v13 =	vmul.f32 $6.931471820e-01, v13  }
0xb0: {  	v7 =	vadd.s32 v11, v5;
	v15 =	vmul.f32 $1.000000010e-01, v15;
	v14 =	vmul.f32 $6.931471820e-01, v14  }
0xb1: {  	v61 =	vand.u32 $0x1, v10;
	v18 =	vmul.f32 $6.931471820e-01, v18;
	v16 =	vmul.f32 $6.931471820e-01, v16;
	v53 =	vpop (erf)  }
0xb2: {  	v3 =	vadd.s32 v60, v1;
	v59 =	vmul.f32 $1.000000010e-01, v17;
	v13 =	vmul.f32 $1.000000010e-01, v13;
	v54 =	vpop (erf)  }
0xb3: {  	v9 =	vmul.f32 $1.000000010e-01, v14;
	v25 =	vmax.f32 v53, $5.000000000e-01;
	v26 =	vmax.f32 v54, $5.000000000e-01  }
0xb4: {  	v18 =	vmul.f32 $1.000000010e-01, v18;
	v25 =	vmin.f32 v25, $2.000000000e+00;
	v26 =	vmin.f32 v26, $2.000000000e+00  }
0xb5: {  	v16 =	vmul.f32 $1.000000010e-01, v16;
	v55 =	vshrl.u32 v25, $0x10;
	v56 =	vshrl.u32 v26, $0x10  }
0xb6: {  	v10 =	vmul.f32 $1.442695020e+00, v59;
	v27 =	vand.u32 $0x1, v55;
	v28 =	vand.u32 $0x1, v56  }
0xb7: {  	v13 =	vmul.f32 $1.442695020e+00, v13;
	v25 =	vadd.s32 v27, v25;
	v26 =	vadd.s32 v28, v26  }
0xb8: {  	v62 =	vmul.f32 $1.442695020e+00, v9;
	v25 =	vadd.s32 $0x7FFF, v25;
	v26 =	vadd.s32 $0x7FFF, v26  }
0xb9: {  	v9 =	vmul.f32 $1.442695020e+00, v15;
	v25 =	vshrl.u32 v25, $0x10;
	v26 =	vand.u32 $0xFFFF0000, v26  }
0xba: {  	v5 =	vmul.f32 $1.442695020e+00, v18;
	(erf) = vpow2.f32 v13;
	v25 =	vor.u32 v25, v26  }
0xbb: {  	s11 =	simm.s32 $0x4;
	s12 =	simm.s32 $0xEC20;
	v1 =	vadd.s32 v61, v2;
	v4 =	vmul.f32 $1.442695020e+00, v16;
	(erf) = vpow2.f32 v62;
	[tilespmem:s29+$0x10] =	vst v25  }
.LBB2_2:
0xbc: {  	v2 =	vld [tilespmem:s12+$0x10];
	s30 =	sadd.s32 $0x40, s30;
	(erf) = vpow2.f32 v10;
	v6 =	vadd.s32 $0x7FFF, v6;
	v7 =	vadd.s32 $0x7FFF, v7  }
0xbd: {  	s11 =	sadd.s32 $0x4, s11;
	v8 =	vadd.s32 $0x7FFF, v8;
	v0 =	vadd.s32 $0x7FFF, v0;
	v10 =	vld [tilespmem:s30+$0x10];
	(erf) = vpow2.f32 v9  }
0xbe: {  	v3 =	vadd.s32 $0x7FFF, v3;
	v1 =	vadd.s32 $0x7FFF, v1;
	p0 =	slt.u32 s11, $0xC0;
	v9 =	vld [tilespmem:s30+$0xFFFFFFE0];
	(erf) = vpow2.f32 v5  }
0xbf: {  	v5 =	vld [tilespmem:s12+$0xFFFFFFF0];
	(erf) = vpow2.f32 v4;
	v4 =	vshrl.u32 v6, $0x10;
	v6 =	vand.u32 $0xFFFF0000, v7  }
0xc0: {  	v8 =	vshrl.u32 v8, $0x10;
	v0 =	vand.u32 $0xFFFF0000, v0;
	v3 =	vshrl.u32 v3, $0x10;
	v7 =	vld [tilespmem:s30+$0xFFFFFFF0]  }
0xc1: {  	v1 =	vand.u32 $0xFFFF0000, v1;
	v4 =	vor.u32 v4, v6;
	v11 =	vld [tilespmem:s12+$0x0];
	v2 =	vmax.f32 v2, $9.999999970e-07  }
0xc2: {  	v0 =	vor.u32 v8, v0;
	v6 =	vld [tilespmem:s30+$0x0];
	v10 =	vmax.f32 v10, $9.999999970e-07;
	(erf) = vrcp.f32 v2;
	[tilespmem:s19+$0xFFFFFFE0] =	vst v4  }
0xc3: {  	v2 =	vld [tilespmem:s12+$0xFFFFFFE0];
	v9 =	vmax.f32 v9, $9.999999970e-07;
	(erf) = vrcp.f32 v10;
	v8 =	vpop (erf);
	[tilespmem:s19+$0xFFFFFFF0] =	vst v0;
	v0 =	vor.u32 v3, v1  }
0xc4: {  	v1 =	vmax.f32 v5, $9.999999970e-07;
	(erf) = vrcp.f32 v9;
	v3 =	vmax.f32 v8, $5.000000000e-01;
	v4 =	vpop (erf);
	[tilespmem:s19+$0x0] =	vst v0;
	s19 =	smov.u32 s29;
	s29 =	smov.u32 s12  }
0xc5: {  	v0 =	vmax.f32 v7, $9.999999970e-07;
	(erf) = vrcp.f32 v1;
	v1 =	vmax.f32 v4, $5.000000000e-01;
	v4 =	vpop (erf)  }
0xc6: {  	v5 =	vmax.f32 v11, $9.999999970e-07;
	(erf) = vrcp.f32 v0;
	v0 =	vmax.f32 v4, $5.000000000e-01;
	v4 =	vpop (erf)  }
0xc7: {  	v6 =	vmax.f32 v6, $9.999999970e-07;
	(erf) = vrcp.f32 v5;
	v7 =	vmax.f32 v4, $5.000000000e-01;
	v4 =	vpop (erf)  }
0xc8: {  	v2 =	vmax.f32 v2, $9.999999970e-07;
	(erf) = vrcp.f32 v6;
	v6 =	vmax.f32 v4, $5.000000000e-01;
	v4 =	vpop (erf)  }
0xc9: {  	v5 =	vmin.f32 v3, $2.000000000e+00;
	(erf) = vrcp.f32 v2;
	v2 =	vmax.f32 v4, $5.000000000e-01  }
0xca: {  	v3 =	vmin.f32 v0, $2.000000000e+00;
	v0 =	vmin.f32 v7, $2.000000000e+00;
	v4 =	vmin.f32 v1, $2.000000000e+00  }
0xcb: {  	v11 =	vshrl.u32 v5, $0x10;
	v1 =	vmin.f32 v6, $2.000000000e+00;
	v2 =	vmin.f32 v2, $2.000000000e+00;
	v7 =	vpop (erf)  }
0xcc: {  	v8 =	vshrl.u32 v3, $0x10;
	v10 =	vshrl.u32 v4, $0x10;
	v15 =	vmul.f32 $5.000000070e-02, v7;
	v6 =	vpop (erf)  }
0xcd: {  	v9 =	vshrl.u32 v0, $0x10;
	v16 =	vmul.f32 $5.000000070e-02, v6;
	v7 =	vpop (erf);
	v6 =	vshrl.u32 v1, $0x10  }
0xce: {  	v12 =	vmul.f32 $5.000000070e-02, v7;
	v19 =	vand.u32 $0x7FFFFF, v15;
	v13 =	vpop (erf);
	v7 =	vshrl.u32 v2, $0x10  }
0xcf: {  	v13 =	vmul.f32 $5.000000070e-02, v13;
	v17 =	vor.u32 $0x3F800000, v19;
	v18 =	vand.u32 $0x7FFFFF, v16;
	v14 =	vpop (erf)  }
0xd0: {  	v14 =	vmul.f32 $5.000000070e-02, v14;
	v19 =	vmul.f32 $7.915037120e-02, v17;
	v18 =	vor.u32 $0x3F800000, v18;
	v20 =	vpop (erf)  }
0xd1: {  	v21 =	vand.u32 $0x7FFFFF, v12;
	v20 =	vmul.f32 $5.000000070e-02, v20;
	v22 =	vmul.f32 $7.915037120e-02, v18;
	v23 =	vpop (erf)  }
0xd2: {  	v24 =	vand.u32 $0x7FFFFF, v13;
	v23 =	vmul.f32 $5.000000070e-02, v23;
	v19 =	vsub.f32 $6.288157100e-01, v19;
	v25 =	vpop (erf)  }
0xd3: {  	v26 =	vand.u32 $0x7FFFFF, v14;
	v25 =	vmul.f32 $5.000000070e-02, v25;
	v22 =	vsub.f32 $6.288157100e-01, v22  }
0xd4: {  	v27 =	vand.u32 $0x7FFFFF, v20;
	v28 =	vand.u32 $0x7FFFFF, v23;
	v19 =	vmul.f32 v17, v19  }
0xd5: {  	v21 =	vor.u32 $0x3F800000, v21;
	v29 =	vand.u32 $0x7FFFFF, v25;
	v22 =	vmul.f32 v18, v22  }
0xd6: {  	v24 =	vor.u32 $0x3F800000, v24;
	v29 =	vor.u32 $0x3F800000, v29;
	v19 =	vadd.f32 $-2.081060170e+00, v19  }
0xd7: {  	v26 =	vor.u32 $0x3F800000, v26;
	v27 =	vor.u32 $0x3F800000, v27;
	v22 =	vadd.f32 $-2.081060170e+00, v22  }
0xd8: {  	v28 =	vor.u32 $0x3F800000, v28;
	v30 =	vmul.f32 $7.915037120e-02, v29;
	v19 =	vmul.f32 v17, v19  }
0xd9: {  	v31 =	vmul.f32 $7.915037120e-02, v21;
	v25 =	vshra.s32 v25, $0x17;
	v22 =	vmul.f32 v18, v22  }
0xda: {  	v32 =	vmul.f32 $7.915037120e-02, v24;
	v33 =	vmul.f32 $7.915037120e-02, v26;
	v19 =	vadd.f32 $4.028372760e+00, v19  }
0xdb: {  	v34 =	vmul.f32 $7.915037120e-02, v27;
	v35 =	vmul.f32 $7.915037120e-02, v28;
	v22 =	vadd.f32 $4.028372760e+00, v22  }
0xdc: {  	v15 =	vshra.s32 v15, $0x17;
	v30 =	vsub.f32 $6.288157100e-01, v30;
	v17 =	vmul.f32 v17, v19  }
0xdd: {  	v15 =	vadd.s32 $0xFFFFFF81, v15;
	v16 =	vshra.s32 v16, $0x17;
	v18 =	vmul.f32 v18, v22  }
0xde: {  	v15 =	vcvt.s32.f32 v15;
	v16 =	vadd.s32 $0xFFFFFF81, v16;
	v17 =	vadd.f32 $-2.496773720e+00, v17  }
0xdf: {  	v16 =	vcvt.s32.f32 v16;
	v19 =	vsub.f32 $6.288157100e-01, v31;
	v18 =	vadd.f32 $-2.496773720e+00, v18  }
0xe0: {  	v22 =	vmul.f32 v29, v30;
	v30 =	vsub.f32 $6.288157100e-01, v32;
	v15 =	vadd.f32 v15, v17  }
0xe1: {  	v17 =	vmul.f32 v21, v19;
	v19 =	vsub.f32 $6.288157100e-01, v33;
	v16 =	vadd.f32 v16, v18  }
0xe2: {  	v31 =	vsub.f32 $6.288157100e-01, v35;
	v18 =	vsub.f32 $6.288157100e-01, v34;
	v15 =	vmul.f32 $6.931471820e-01, v15  }
0xe3: {  	v22 =	vadd.f32 $-2.081060170e+00, v22;
	v30 =	vmul.f32 v24, v30;
	v16 =	vmul.f32 $6.931471820e-01, v16  }
0xe4: {  	v17 =	vadd.f32 $-2.081060170e+00, v17;
	v19 =	vmul.f32 v26, v19;
	v15 =	vmul.f32 $1.000000010e-01, v15  }
0xe5: {  	v30 =	vadd.f32 $-2.081060170e+00, v30;
	v18 =	vmul.f32 v27, v18;
	v16 =	vmul.f32 $1.000000010e-01, v16  }
0xe6: {  	v31 =	vmul.f32 v28, v31;
	v19 =	vadd.f32 $-2.081060170e+00, v19;
	v15 =	vmul.f32 $1.442695020e+00, v15  }
0xe7: {  	v22 =	vmul.f32 v29, v22;
	v18 =	vadd.f32 $-2.081060170e+00, v18;
	v16 =	vmul.f32 $1.442695020e+00, v16  }
0xe8: {  	v31 =	vadd.f32 $-2.081060170e+00, v31;
	v17 =	vmul.f32 v21, v17;
	(erf) = vpow2.f32 v15  }
0xe9: {  	v15 =	vadd.f32 $4.028372760e+00, v22;
	v22 =	vmul.f32 v24, v30;
	(erf) = vpow2.f32 v16  }
0xea: {  	v18 =	vmul.f32 v27, v18;
	v16 =	vadd.f32 $4.028372760e+00, v17;
	v17 =	vmul.f32 v26, v19  }
0xeb: {  	v15 =	vmul.f32 v29, v15;
	v19 =	vadd.f32 $4.028372760e+00, v22;
	v22 =	vmul.f32 v28, v31  }
0xec: {  	v18 =	vadd.f32 $4.028372760e+00, v18;
	v16 =	vmul.f32 v21, v16;
	v17 =	vadd.f32 $4.028372760e+00, v17  }
0xed: {  	v12 =	vshra.s32 v12, $0x17;
	v19 =	vmul.f32 v24, v19;
	v21 =	vadd.f32 $4.028372760e+00, v22  }
0xee: {  	v13 =	vshra.s32 v13, $0x17;
	v18 =	vmul.f32 v27, v18;
	v17 =	vmul.f32 v26, v17  }
0xef: {  	v14 =	vshra.s32 v14, $0x17;
	v20 =	vshra.s32 v20, $0x17;
	v21 =	vmul.f32 v28, v21  }
0xf0: {  	v12 =	vadd.s32 $0xFFFFFF81, v12;
	v23 =	vshra.s32 v23, $0x17;
	v22 =	vadd.s32 $0xFFFFFF81, v25  }
0xf1: {  	v13 =	vadd.s32 $0xFFFFFF81, v13;
	v14 =	vadd.s32 $0xFFFFFF81, v14;
	v20 =	vadd.s32 $0xFFFFFF81, v20;
	v24 =	vpop (erf)  }
0xf2: {  	v23 =	vadd.s32 $0xFFFFFF81, v23;
	v15 =	vadd.f32 $-2.496773720e+00, v15;
	v16 =	vadd.f32 $-2.496773720e+00, v16;
	v25 =	vpop (erf)  }
0xf3: {  	v19 =	vadd.f32 $-2.496773720e+00, v19;
	v24 =	vmax.f32 v24, $5.000000000e-01;
	v25 =	vmax.f32 v25, $5.000000000e-01  }
0xf4: {  	v17 =	vadd.f32 $-2.496773720e+00, v17;
	v24 =	vmin.f32 v24, $2.000000000e+00;
	v25 =	vmin.f32 v25, $2.000000000e+00  }
0xf5: {  	v18 =	vadd.f32 $-2.496773720e+00, v18;
	v26 =	vshrl.u32 v24, $0x10;
	v27 =	vshrl.u32 v25, $0x10  }
0xf6: {  	v21 =	vadd.f32 $-2.496773720e+00, v21;
	v26 =	vand.u32 $0x1, v26;
	v27 =	vand.u32 $0x1, v27  }
0xf7: {  	v22 =	vcvt.s32.f32 v22;
	v24 =	vadd.s32 v26, v24;
	v25 =	vadd.s32 v27, v25  }
0xf8: {  	v12 =	vcvt.s32.f32 v12;
	v24 =	vadd.s32 $0x7FFF, v24;
	v25 =	vadd.s32 $0x7FFF, v25  }
0xf9: {  	v13 =	vcvt.s32.f32 v13;
	v24 =	vshrl.u32 v24, $0x10;
	v25 =	vand.u32 $0xFFFF0000, v25  }
0xfa: {  	v14 =	vcvt.s32.f32 v14;
	v20 =	vcvt.s32.f32 v20;
	v24 =	vor.u32 v24, v25  }
0xfb: {  	v15 =	vadd.f32 v22, v15;
	v12 =	vadd.f32 v12, v16;
	v16 =	vcvt.s32.f32 v23;
	[tilespmem:s12+$0x10] =	vst v24  }
0xfc: {  	v11 =	vand.u32 $0x1, v11;
	v13 =	vadd.f32 v13, v19;
	v14 =	vadd.f32 v14, v17  }
0xfd: {  	v15 =	vmul.f32 $6.931471820e-01, v15;
	v17 =	vadd.f32 v20, v18;
	v16 =	vadd.f32 v16, v21  }
0xfe: {  	v12 =	vmul.f32 $6.931471820e-01, v12;
	v18 =	vand.u32 $0x1, v10;
	v13 =	vmul.f32 $6.931471820e-01, v13  }
0xff: {  	v8 =	vand.u32 $0x1, v8;
	v10 =	vmul.f32 $6.931471820e-01, v14;
	v14 =	vmul.f32 $6.931471820e-01, v17  }
0x100: {  	v15 =	vmul.f32 $1.000000010e-01, v15;
	v17 =	vand.u32 $0x1, v9;
	v16 =	vmul.f32 $6.931471820e-01, v16  }
0x101: {  	v9 =	vmul.f32 $1.000000010e-01, v12;
	v12 =	vmul.f32 $1.000000010e-01, v13;
	v13 =	vand.u32 $0x1, v6  }
0x102: {  	v20 =	vand.u32 $0x1, v7;
	v19 =	vmul.f32 $1.000000010e-01, v10;
	v14 =	vmul.f32 $1.000000010e-01, v14  }
.Ltmp0:
0x103: {  	v6 =	vadd.s32 v11, v5;
	v15 =	vmul.f32 $1.442695020e+00, v15;
	v16 =	vmul.f32 $1.000000010e-01, v16;
	(pc) =	sbr.rel @p0 .LBB2_2-.Ltmp0, $4  }
0x104: {  	v7 =	vadd.s32 v18, v4;
	v11 =	vmul.f32 $1.442695020e+00, v9;
	v10 =	vmul.f32 $1.442695020e+00, v12  }
0x105: {  	v8 =	vadd.s32 v8, v3;
	v9 =	vmul.f32 $1.442695020e+00, v19;
	v5 =	vmul.f32 $1.442695020e+00, v14  }
0x106: {  	v0 =	vadd.s32 v17, v0;
	v4 =	vmul.f32 $1.442695020e+00, v16;
	(erf) = vpow2.f32 v15  }
0x107: {  	v3 =	vadd.s32 v13, v1;
	v1 =	vadd.s32 v20, v2;
	s12 =	sadd.s32 $0x40, s12;
	(erf) = vpow2.f32 v11  }
0x108: {  	(erf) = vpow2.f32 v10  }
0x109: {  	(erf) = vpow2.f32 v9  }
0x10a: {  	(erf) = vpow2.f32 v5;
	_ =	sdelay $0x1  }
0x10b: {  	v2 =	vadd.s32 $0x7FFF, v6;
	v42 =	vadd.s32 $0x7FFF, v7;
	(erf) = vpow2.f32 v4  }
0x10c: {  	v43 =	vadd.s32 $0x7FFF, v8;
	v0 =	vadd.s32 $0x7FFF, v0;
	v3 =	vadd.s32 $0x7FFF, v3  }
0x10d: {  	v1 =	vadd.s32 $0x7FFF, v1;
	v2 =	vshrl.u32 v2, $0x10;
	v0 =	vand.u32 $0xFFFF0000, v0  }
0x10e: {  	v3 =	vshrl.u32 v3, $0x10;
	v1 =	vand.u32 $0xFFFF0000, v1;
	v5 =	vshrl.u32 v43, $0x10;
	v44 =	vpop (erf)  }
0x10f: {  	v1 =	vor.u32 v3, v1;
	v4 =	vand.u32 $0xFFFF0000, v42;
	v0 =	vor.u32 v5, v0;
	v45 =	vpop (erf)  }
0x110: {  	v2 =	vor.u32 v2, v4;
	v48 =	vmax.f32 v44, $5.000000000e-01;
	v46 =	vpop (erf);
	v49 =	vmax.f32 v45, $5.000000000e-01  }
0x111: {  	v3 =	vmin.f32 v48, $2.000000000e+00;
	v47 =	vpop (erf);
	v51 =	vmax.f32 v46, $5.000000000e-01;
	v5 =	vmin.f32 v49, $2.000000000e+00  }
0x112: {  	v53 =	vshrl.u32 v3, $0x10;
	v50 =	vpop (erf);
	v4 =	vmax.f32 v47, $5.000000000e-01;
	v7 =	vmin.f32 v51, $2.000000000e+00  }
0x113: {  	v9 =	vand.u32 $0x1, v53;
	v54 =	vshrl.u32 v5, $0x10;
	v6 =	vmax.f32 v50, $5.000000000e-01  }
0x114: {  	v52 =	vpop (erf);
	v4 =	vmin.f32 v4, $2.000000000e+00;
	v11 =	vshrl.u32 v7, $0x10;
	v3 =	vadd.s32 v9, v3  }
0x115: {  	v10 =	vand.u32 $0x1, v54;
	v8 =	vmax.f32 v52, $5.000000000e-01;
	v6 =	vmin.f32 v6, $2.000000000e+00  }
0x116: {  	v55 =	vshrl.u32 v4, $0x10;
	v11 =	vand.u32 $0x1, v11;
	v5 =	vadd.s32 v10, v5  }
0x117: {  	v3 =	vadd.s32 $0x7FFF, v3;
	v8 =	vmin.f32 v8, $2.000000000e+00;
	v56 =	vshrl.u32 v6, $0x10  }
0x118: {  	v7 =	vadd.s32 v11, v7;
	v9 =	vand.u32 $0x1, v55;
	v5 =	vadd.s32 $0x7FFF, v5  }
0x119: {  	v3 =	vshrl.u32 v3, $0x10;
	v57 =	vshrl.u32 v8, $0x10;
	v10 =	vand.u32 $0x1, v56  }
0x11a: {  	v4 =	vadd.s32 v9, v4;
	v58 =	vadd.s32 $0x7FFF, v7;
	v5 =	vand.u32 $0xFFFF0000, v5  }
0x11b: {  	[tilespmem:s19+$0x0] =	vst v1;
	v11 =	vand.u32 $0x1, v57;
	v6 =	vadd.s32 v10, v6;
	v4 =	vadd.s32 $0x7FFF, v4  }
0x11c: {  	[tilespmem:s19+$0xFFFFFFF0] =	vst v0;
	v60 =	vshrl.u32 v58, $0x10;
	v3 =	vor.u32 v3, v5;
	v8 =	vadd.s32 v11, v8  }
0x11d: {  	[tilespmem:s19+$0xFFFFFFE0] =	vst v2;
	v6 =	vadd.s32 $0x7FFF, v6;
	v61 =	vand.u32 $0xFFFF0000, v4;
	v59 =	vadd.s32 $0x7FFF, v8  }
0x11e: {  	[tilespmem:s29+$0xFFFFFFE0] =	vst v3;
	v62 =	vshrl.u32 v6, $0x10;
	v1 =	vor.u32 v60, v61;
	v0 =	vand.u32 $0xFFFF0000, v59  }
0x11f: {  	[tilespmem:s29+$0xFFFFFFF0] =	vst v1;
	v0 =	vor.u32 v62, v0  }
0x120: {  	[tilespmem:s29+$0x0] =	vst v0  }
0x121: {  	s21 =	simm.s32 $0xE;
	s19 =	simm.s32 $0x0;
	s11 =	rddreg [dreg:$0xb]  }
0x122: {  	[hbm4b:s11+s19] =	stream.linear.scatter [tilespmem:s24], [sflag:$0xE], $0xC40, $0x38;
	v63 =	vld [tilespmem:$0x0]  }
0x123: {  	_ =	swait.ge [sflag:s21], $0xC40  }
0x124: {  	[sflag:s21] =	ssyncset.done $0x0  }
0x125: {  	[sflag:s21] =	ssyncadd.s32 $0xFFFFF3C0  }
0x126: {  	[bflag:$0x0] =	sbarrier.arrive $0xFFFF  }
0x127: {  	s31 =	simm.s32 $0x1;
	s30 =	rddreg [dreg:$0xc]  }
0x128: {  	[tilespmem:s19], [sflag:$0x1] =	stream.linear.gather [hbm4b:s30+s19], $0xC400, $0x38;
	v63 =	vld [tilespmem:$0x0]  }
0x129: {  	_ =	swait.ge [sflag:s31], $0xC400  }
0x12a: {  	[sflag:s31] =	ssyncset.done $0x0  }
0x12b: {  	s29 =	simm.s32 $0x0;
	[sflag:s31] =	ssyncadd.s32 $0xFFFF3C00  }
.LBB2_4:
0x12c: {  	s30 =	smul.u32 $0x9C40, s29  }
0x12d: {  	p0 =	seq.s32 s29, $0x0  }
0x12e: {  	s12 =	simm.s32 @!p0 $0xA;
	s11 =	sadd.s32 s6, s30  }
0x12f: {  	_ =	swait.ge @!p0 [sflag:s12], $0x2710;
	s13 =	sadd.s32 $0x4E20, s11  }
0x130: {  	[sflag:s12] =	ssyncset.done @!p0 $0x0;
	s13 =	sshrl.u32 s13, $0x3  }
0x131: {  	s14 =	simm.s32 $0xC400;
	[sflag:s12] =	ssyncadd.s32 @!p0 $0xFFFFD8F0;
	s15 =	sadd.s32 s1, s13  }
0x132: {  	[tilespmem:s14], [sflag:$0x2] =	stream.linear.gather [hbm4b:s15+s19], $0x2710, $0x38;
	v63 =	vld [tilespmem:$0x0]  }
0x133: {  	s20 =	sadd.s32 s2, s13  }
0x134: {  	[tilespmem:s24], [sflag:$0x6] =	stream.linear.gather [hbm4b:s20+s19], $0x2710, $0x38;
	v63 =	vld [tilespmem:$0x0]  }
0x135: {  	_ =	swait.ge [sflag:s0], $0x2710  }
0x136: {  	[sflag:s0] =	ssyncset.done $0x0  }
0x137: {  	[sflag:s0] =	ssyncadd.s32 $0xFFFFD8F0  }
0x138: {  	_ =	swait.ge [sflag:s3], $0x2710  }
0x139: {  	[sflag:s3] =	ssyncset.done $0x0  }
0x13a: {  	s12 =	simm.s32 $0x189D0;
	[sflag:s3] =	ssyncadd.s32 $0xFFFFD8F0  }
0x13b: {  	v4 =	vld [tilespmem:s12+$0xFFFFFFB0]  }
0x13c: {  	v0 =	vld [tilespmem:s12+$0xFFFFFFC0]  }
0x13d: {  	s21 =	sand.u32 $0x3FE0, s19;
	v1 =	vld [tilespmem:s12+$0xFFFFFFD0]  }
0x13e: {  	s13 =	simm.s32 $0x16250;
	v3 =	vld [tilespmem:s21+$0x16280]  }
0x13f: {  	v5 =	vld [tilespmem:s13+$0xFFFFFFB0]  }
0x140: {  	v6 =	vld [tilespmem:s13+$0xFFFFFFC0]  }
0x141: {  	v2 =	vld [tilespmem:s12+$0xFFFFFFE0]  }
0x142: {  	v7 =	vld [tilespmem:s13+$0xFFFFFFD0]  }
0x143: {  	v8 =	vld [tilespmem:s13+$0xFFFFFFE0];
	vm4 =	vgt.s32 v3, $0xC3FF;
	v9 =	vadd.s32 $0xFFFF3C00, v3  }
0x144: {  	v11 =	vld [tilespmem:s13+$0xFFFFFFF0];
	vm2 =	vgt.s32 v5, $0xC3FF;
	v10 =	vadd.s32 $0xFFFF3C00, v5;
	v3 =	vsel vm4, v9, v3  }
0x145: {  	vm9 =	vgt.s32 v6, $0xC3FF;
	v5 =	vsel vm2, v10, v5;
	v9 =	vadd.s32 $0xFFFF3C00, v6;
	v10 =	vld [tilespmem:s13+$0x0]  }
0x146: {  	v6 =	vsel vm9, v9, v6;
	v9 =	vld [tilespmem:s13+$0x10]  }
0x147: {  	v13 =	vld [tilespmem:s13+$0x20];
	vm5 =	vgt.s32 v7, $0xC3FF;
	v12 =	vadd.s32 $0xFFFF3C00, v7  }
0x148: {  	v14 =	vld [tilespmem:s13+$0x40];
	vm6 =	vgt.s32 v8, $0xC3FF;
	v7 =	vsel vm5, v12, v7;
	v12 =	vadd.s32 $0xFFFF3C00, v8  }
0x149: {  	vm7 =	vgt.s32 v11, $0xC3FF;
	v8 =	vsel vm6, v12, v8;
	v12 =	vadd.s32 $0xFFFF3C00, v11;
	v3 =	vld.idx.msk [tilespmem:v3+s19+$0x0], $0xffff  }
0x14a: {  	v11 =	vsel vm7, v12, v11;
	v5 =	vld.idx.msk [tilespmem:v5+s19+$0x0], $0xffff;
	vm8 =	vgt.s32 v10, $0xC3FF;
	v12 =	vadd.s32 $0xFFFF3C00, v10  }
0x14b: {  	v6 =	vld.idx.msk [tilespmem:v6+s19+$0x0], $0xffff;
	v10 =	vsel vm8, v12, v10;
	vm3 =	vgt.s32 v9, $0xC3FF;
	v12 =	vadd.s32 $0xFFFF3C00, v9  }
0x14c: {  	v15 =	vld [tilespmem:s21+$0x18A00];
	vm1 =	vgt.s32 v13, $0xC3FF;
	v9 =	vsel vm3, v12, v9;
	v12 =	vadd.s32 $0xFFFF3C00, v13  }
0x14d: {  	vm0 =	vgt.s32 v14, $0xC3FF;
	v7 =	vld.idx.msk [tilespmem:v7+s19+$0x0], $0xffff;
	v12 =	vsel vm1, v12, v13;
	v13 =	vadd.s32 $0xFFFF3C00, v14  }
0x14e: {  	v8 =	vld.idx.msk [tilespmem:v8+s19+$0x0], $0xffff;
	v13 =	vsel vm0, v13, v14;
	v14 =	vand.u32 $0xFFFF0000, v3  }
0x14f: {  	v11 =	vld.idx.msk [tilespmem:v11+s19+$0x0], $0xffff;
	v3 =	vshll.u32 v3, $0x10;
	v16 =	vand.u32 $0xFFFF0000, v5;
	v5 =	vshll.u32 v5, $0x10  }
0x150: {  	v10 =	vld.idx.msk [tilespmem:v10+s19+$0x0], $0xffff;
	v3 =	vsel vm4, v14, v3;
	v14 =	vand.u32 $0xFFFF0000, v6;
	v6 =	vshll.u32 v6, $0x10  }
0x151: {  	v5 =	vsel vm2, v16, v5;
	v17 =	vld.idx.msk [tilespmem:v9+s19+$0x0], $0xffff;
	v15 =	vmul.f32 v3, v15;
	v3 =	vsel vm9, v14, v6  }
0x152: {  	v14 =	vmul.f32 v5, v4;
	v5 =	vand.u32 $0xFFFF0000, v7;
	v6 =	vshll.u32 v7, $0x10;
	v16 =	vld.idx.msk [tilespmem:v12+s19+$0x0], $0xffff  }
0x153: {  	v7 =	vsel vm5, v5, v6;
	v5 =	vld [tilespmem:s12+$0xFFFFFFF0]  }
0x154: {  	v6 =	vand.u32 $0xFFFF0000, v8;
	v8 =	vshll.u32 v8, $0x10;
	v4 =	vld.idx.msk [tilespmem:v13+s19+$0x0], $0xffff  }
0x155: {  	v9 =	vsel vm6, v6, v8;
	v8 =	vand.u32 $0xFFFF0000, v11;
	v11 =	vshll.u32 v11, $0x10;
	v6 =	vld [tilespmem:s12+$0x0]  }
0x156: {  	v11 =	vsel vm7, v8, v11;
	v8 =	vld [tilespmem:s12+$0x10];
	v12 =	vand.u32 $0xFFFF0000, v10;
	v10 =	vshll.u32 v10, $0x10  }
0x157: {  	[tilespmem:s21+$0x18A00] =	vst v15;
	v12 =	vsel vm8, v12, v10;
	v13 =	vand.u32 $0xFFFF0000, v17;
	v15 =	vshll.u32 v17, $0x10;
	v10 =	vld [tilespmem:s12+$0x20]  }
0x158: {  	s31 =	simm.s32 $0x0;
	s14 =	simm.s32 $0x0;
	s15 =	simm.s32 $0x18A70;
	[tilespmem:s12+$0xFFFFFFB0] =	vst v14;
	v14 =	vsel vm3, v13, v15;
	v15 =	vand.u32 $0xFFFF0000, v16;
	v16 =	vshll.u32 v16, $0x10;
	v13 =	vld [tilespmem:s12+$0x40]  }
.LBB2_5:
0x159: {  	v17 =	vld [tilespmem:s15+$0xFFFFFFB0];
	v15 =	vsel vm1, v15, v16;
	v16 =	vand.u32 $0xFFFF0000, v4;
	v4 =	vshll.u32 v4, $0x10  }
0x15a: {  	v3 =	vmul.f32 v3, v0;
	v7 =	vmul.f32 v7, v1;
	s31 =	sadd.s32 $0xA0, s31;
	v0 =	vld [tilespmem:s15+$0xFFFFFFC0];
	v4 =	vsel vm0, v16, v4  }
0x15b: {  	s14 =	sadd.s32 $0xA, s14;
	v2 =	vmul.f32 v9, v2;
	v5 =	vmul.f32 v11, v5;
	s21 =	sand.u32 $0x3FE0, s31;
	v1 =	vld [tilespmem:s15+$0xFFFFFFD0]  }
0x15c: {  	s13 =	sadd.s32 $0xA0, s13;
	p1 =	slt.u32 s14, $0x262;
	v9 =	vld [tilespmem:s21+$0x16280];
	[tilespmem:s12+$0xFFFFFFC0] =	vst v3;
	v3 =	vmul.f32 v12, v6;
	v6 =	vmul.f32 v14, v8  }
0x15d: {  	v8 =	vld [tilespmem:s13+$0xFFFFFFB0];
	[tilespmem:s12+$0xFFFFFFD0] =	vst v7;
	v7 =	vmul.f32 v15, v10;
	v4 =	vmul.f32 v4, v13  }
0x15e: {  	v10 =	vld [tilespmem:s13+$0xFFFFFFC0];
	[tilespmem:s12+$0xFFFFFFE0] =	vst v2  }
0x15f: {  	v2 =	vld [tilespmem:s15+$0xFFFFFFE0];
	[tilespmem:s12+$0xFFFFFFF0] =	vst v5  }
0x160: {  	v5 =	vld [tilespmem:s13+$0xFFFFFFD0];
	[tilespmem:s12+$0x0] =	vst v3  }
0x161: {  	v3 =	vld [tilespmem:s13+$0xFFFFFFE0];
	vm3 =	vgt.s32 v9, $0xC3FF;
	v11 =	vadd.s32 $0xFFFF3C00, v9;
	[tilespmem:s12+$0x10] =	vst v6  }
0x162: {  	vm2 =	vgt.s32 v8, $0xC3FF;
	v6 =	vadd.s32 $0xFFFF3C00, v8;
	v12 =	vld [tilespmem:s13+$0xFFFFFFF0];
	v9 =	vsel vm3, v11, v9;
	[tilespmem:s12+$0x20] =	vst v7  }
0x163: {  	v6 =	vsel vm2, v6, v8;
	vm4 =	vgt.s32 v10, $0xC3FF;
	v7 =	vadd.s32 $0xFFFF3C00, v10;
	v8 =	vld [tilespmem:s13+$0x0];
	[tilespmem:s12+$0x40] =	vst v4;
	s12 =	smov.u32 s15  }
0x164: {  	v4 =	vsel vm4, v7, v10;
	v7 =	vld [tilespmem:s13+$0x10]  }
0x165: {  	vm5 =	vgt.s32 v5, $0xC3FF;
	v10 =	vadd.s32 $0xFFFF3C00, v5;
	v11 =	vld [tilespmem:s13+$0x20]  }
0x166: {  	s20 =	simm.s32 $0x0;
	v5 =	vsel vm5, v10, v5;
	vm6 =	vgt.s32 v3, $0xC3FF;
	v10 =	vadd.s32 $0xFFFF3C00, v3;
	v13 =	vld [tilespmem:s13+$0x40]  }
0x167: {  	v3 =	vsel vm6, v10, v3;
	vm7 =	vgt.s32 v12, $0xC3FF;
	v10 =	vadd.s32 $0xFFFF3C00, v12;
	v9 =	vld.idx.msk [tilespmem:v9+s20+$0x0], $0xffff  }
0x168: {  	v6 =	vld.idx.msk [tilespmem:v6+s20+$0x0], $0xffff;
	v10 =	vsel vm7, v10, v12;
	vm8 =	vgt.s32 v8, $0xC3FF;
	v12 =	vadd.s32 $0xFFFF3C00, v8  }
0x169: {  	v4 =	vld.idx.msk [tilespmem:v4+s20+$0x0], $0xffff;
	v8 =	vsel vm8, v12, v8;
	vm9 =	vgt.s32 v7, $0xC3FF;
	v12 =	vadd.s32 $0xFFFF3C00, v7  }
0x16a: {  	v7 =	vsel vm9, v12, v7;
	vm1 =	vgt.s32 v11, $0xC3FF;
	v12 =	vadd.s32 $0xFFFF3C00, v11;
	v14 =	vld [tilespmem:s21+$0x18A00]  }
0x16b: {  	v5 =	vld.idx.msk [tilespmem:v5+s20+$0x0], $0xffff;
	v11 =	vsel vm1, v12, v11;
	vm0 =	vgt.s32 v13, $0xC3FF;
	v12 =	vadd.s32 $0xFFFF3C00, v13  }
0x16c: {  	v15 =	vld.idx.msk [tilespmem:v3+s20+$0x0], $0xffff;
	v12 =	vsel vm0, v12, v13  }
0x16d: {  	v3 =	vand.u32 $0xFFFF0000, v9;
	v9 =	vshll.u32 v9, $0x10;
	v10 =	vld.idx.msk [tilespmem:v10+s20+$0x0], $0xffff  }
0x16e: {  	v13 =	vand.u32 $0xFFFF0000, v6;
	v6 =	vshll.u32 v6, $0x10;
	v3 =	vsel vm3, v3, v9;
	v8 =	vld.idx.msk [tilespmem:v8+s20+$0x0], $0xffff  }
0x16f: {  	v9 =	vand.u32 $0xFFFF0000, v4;
	v4 =	vshll.u32 v4, $0x10;
	v16 =	vld.idx.msk [tilespmem:v7+s20+$0x0], $0xffff;
	v7 =	vmul.f32 v3, v14  }
0x170: {  	v6 =	vsel vm2, v13, v6;
	v3 =	vsel vm4, v9, v4;
	v13 =	vld.idx.msk [tilespmem:v11+s20+$0x0], $0xffff  }
0x171: {  	v6 =	vmul.f32 v6, v17;
	v9 =	vand.u32 $0xFFFF0000, v5;
	v5 =	vshll.u32 v5, $0x10;
	[tilespmem:s21+$0x18A00] =	vst v7;
	v4 =	vld.idx.msk [tilespmem:v12+s20+$0x0], $0xffff  }
.Ltmp1:
0x172: {  	v7 =	vsel vm5, v9, v5;
	v9 =	vand.u32 $0xFFFF0000, v15;
	v11 =	vshll.u32 v15, $0x10;
	v5 =	vld [tilespmem:s15+$0xFFFFFFF0];
	(pc) =	sbr.rel @p1 .LBB2_5-.Ltmp1, $4  }
0x173: {  	v9 =	vsel vm6, v9, v11;
	v11 =	vand.u32 $0xFFFF0000, v10;
	v10 =	vshll.u32 v10, $0x10;
	[tilespmem:s15+$0xFFFFFFB0] =	vst v6;
	v6 =	vld [tilespmem:s15+$0x0]  }
0x174: {  	v11 =	vsel vm7, v11, v10;
	v10 =	vand.u32 $0xFFFF0000, v8;
	v12 =	vshll.u32 v8, $0x10;
	v8 =	vld [tilespmem:s15+$0x10]  }
0x175: {  	v12 =	vsel vm8, v10, v12;
	v14 =	vand.u32 $0xFFFF0000, v16;
	v15 =	vshll.u32 v16, $0x10;
	v10 =	vld [tilespmem:s15+$0x20]  }
0x176: {  	v14 =	vsel vm9, v14, v15;
	v15 =	vand.u32 $0xFFFF0000, v13;
	v16 =	vshll.u32 v13, $0x10;
	s15 =	sadd.s32 $0xA0, s15;
	v13 =	vld [tilespmem:s12+$0x40]  }
0x177: {  	v0 =	vmul.f32 v3, v0  }
0x178: {  	v1 =	vmul.f32 v7, v1  }
0x179: {  	v2 =	vmul.f32 v9, v2;
	[tilespmem:s12+$0xFFFFFFC0] =	vst v0  }
0x17a: {  	v56 =	vmul.f32 v11, v5;
	[tilespmem:s12+$0xFFFFFFD0] =	vst v1  }
0x17b: {  	v57 =	vsel vm1, v15, v16;
	v58 =	vmul.f32 v12, v6;
	[tilespmem:s12+$0xFFFFFFE0] =	vst v2  }
0x17c: {  	v59 =	vand.u32 $0xFFFF0000, v4;
	v60 =	vshll.u32 v4, $0x10;
	v61 =	vmul.f32 v14, v8;
	[tilespmem:s12+$0xFFFFFFF0] =	vst v56  }
0x17d: {  	v62 =	vsel vm0, v59, v60;
	v1 =	vmul.f32 v57, v10;
	[tilespmem:s12+$0x0] =	vst v58  }
0x17e: {  	v0 =	vmul.f32 v62, v13;
	[tilespmem:s12+$0x10] =	vst v61  }
0x17f: {  	[tilespmem:s12+$0x20] =	vst v1  }
0x180: {  	[tilespmem:s12+$0x40] =	vst v0  }
.LBB2_7:
0x181: {  	s12 =	sshra.s32 s20, $0x2  }
0x182: {  	v0 =	vld [tilespmem:s12+$0x188C0];
	_ =	sdelay $0x4  }
0x183: {  	vm0 =	vgt.s32 v0, $0xC3FF;
	v1 =	vadd.s32 $0xFFFF3C00, v0  }
0x184: {  	v0 =	vsel vm0, v1, v0;
	_ =	sdelay $0x4  }
0x185: {  	v0 =	vld.idx.msk [tilespmem:v0+s5+$0x0], $0xffff;
	_ =	sdelay $0x1  }
0x186: {  	v62 =	vld [tilespmem:s12+$0x1B040];
	_ =	sdelay $0x1  }
0x187: {  	p1 =	sne.s32 s20, $0x100  }
.Ltmp2:
0x188: {  	v2 =	vand.u32 $0xFFFF0000, v0;
	v0 =	vshll.u32 v0, $0x10;
	(pc) =	sbr.rel @p1 .LBB2_7-.Ltmp2, $3  }
0x189: {  	v0 =	vsel vm0, v2, v0  }
0x18a: {  	v0 =	vmul.f32 v0, v62;
	_ =	sdelay $0x1  }
0x18b: {  	s20 =	sadd.s32 $0x40, s20;
	[tilespmem:s12+$0x1B040] =	vst v0  }
0x18c: {  	s11 =	sshrl.u32 s11, $0x3  }
0x18d: {  	s12 =	simm.s32 $0x18980;
	s11 =	sadd.s32 s4, s11  }
0x18e: {  	[hbm4b:s11+s5] =	stream.linear.scatter [tilespmem:s12], [sflag:$0xC], $0x2710, $0x38;
	v63 =	vld [tilespmem:$0x0]  }
0x18f: {  	s11 =	sadd.s32 s30, s7;
	s12 =	simm.s32 @!p0 $0xB  }
0x190: {  	s13 =	sadd.s32 $0x4E20, s11;
	_ =	swait.ge @!p0 [sflag:s12], $0x2710  }
0x191: {  	s15 =	simm.s32 $0x11300;
	[sflag:s12] =	ssyncset.done @!p0 $0x0;
	s13 =	sshrl.u32 s13, $0x3  }
0x192: {  	[sflag:s12] =	ssyncadd.s32 @!p0 $0xFFFFD8F0;
	s14 =	sadd.s32 s1, s13;
	s12 =	simm.s32 $0x0  }
0x193: {  	[tilespmem:s15], [sflag:$0x3] =	stream.linear.gather [hbm4b:s14+s12], $0x2710, $0x38;
	v63 =	vld [tilespmem:$0x0]  }
0x194: {  	s13 =	sadd.s32 s2, s13  }
0x195: {  	[tilespmem:s25], [sflag:$0x7] =	stream.linear.gather [hbm4b:s13+s12], $0x2710, $0x38;
	v63 =	vld [tilespmem:$0x0]  }
0x196: {  	_ =	swait.ge [sflag:s22], $0x2710  }
0x197: {  	[sflag:s22] =	ssyncset.done $0x0  }
0x198: {  	[sflag:s22] =	ssyncadd.s32 $0xFFFFD8F0  }
0x199: {  	_ =	swait.ge [sflag:s8], $0x2710  }
0x19a: {  	[sflag:s8] =	ssyncset.done $0x0  }
0x19b: {  	s20 =	simm.s32 $0x1B150;
	[sflag:s8] =	ssyncadd.s32 $0xFFFFD8F0  }
0x19c: {  	s21 =	sand.u32 $0x3FE0, s12;
	v0 =	vld [tilespmem:s20+$0x40]  }
0x19d: {  	v1 =	vld [tilespmem:s21+$0x1B180]  }
0x19e: {  	v2 =	vld [tilespmem:s20+$0xFFFFFFC0]  }
0x19f: {  	v3 =	vld [tilespmem:s20+$0xFFFFFFD0]  }
0x1a0: {  	v4 =	vld [tilespmem:s20+$0xFFFFFFE0]  }
0x1a1: {  	v6 =	vld [tilespmem:s20+$0xFFFFFFF0]  }
0x1a2: {  	s13 =	simm.s32 $0x1D8D0;
	v10 =	vld [tilespmem:s20+$0x20];
	vm4 =	vgt.s32 v0, $0xC3FF;
	v5 =	vadd.s32 $0xFFFF3C00, v0  }
0x1a3: {  	v11 =	vld [tilespmem:s13+$0x40];
	vm8 =	vgt.s32 v1, $0xC3FF;
	v7 =	vadd.s32 $0xFFFF3C00, v1;
	v0 =	vsel vm4, v5, v0  }
0x1a4: {  	vm2 =	vgt.s32 v2, $0xC3FF;
	v8 =	vadd.s32 $0xFFFF3C00, v2;
	v5 =	vld [tilespmem:s20+$0x0];
	v1 =	vsel vm8, v7, v1  }
0x1a5: {  	v2 =	vsel vm2, v8, v2;
	v8 =	vld [tilespmem:s20+$0xFFFFFFB0]  }
0x1a6: {  	vm5 =	vgt.s32 v3, $0xC3FF;
	v9 =	vadd.s32 $0xFFFF3C00, v3;
	v7 =	vld [tilespmem:s20+$0x10]  }
0x1a7: {  	v15 =	vld [tilespmem:s13+$0xFFFFFFC0];
	vm6 =	vgt.s32 v4, $0xC3FF;
	v3 =	vsel vm5, v9, v3;
	v9 =	vadd.s32 $0xFFFF3C00, v4  }
0x1a8: {  	vm7 =	vgt.s32 v6, $0xC3FF;
	v4 =	vsel vm6, v9, v4;
	v9 =	vadd.s32 $0xFFFF3C00, v6;
	v0 =	vld.idx.msk [tilespmem:v0+s12+$0x0], $0xffff  }
0x1a9: {  	v6 =	vsel vm7, v9, v6;
	v1 =	vld.idx.msk [tilespmem:v1+s12+$0x0], $0xffff;
	vm3 =	vgt.s32 v5, $0xC3FF;
	v9 =	vadd.s32 $0xFFFF3C00, v5  }
0x1aa: {  	v2 =	vld.idx.msk [tilespmem:v2+s12+$0x0], $0xffff;
	vm9 =	vgt.s32 v8, $0xC3FF;
	v5 =	vsel vm3, v9, v5;
	v9 =	vadd.s32 $0xFFFF3C00, v8  }
0x1ab: {  	vm1 =	vgt.s32 v7, $0xC3FF;
	v12 =	vadd.s32 $0xFFFF3C00, v7;
	v8 =	vsel vm9, v9, v8;
	v9 =	vld [tilespmem:s21+$0x1D900]  }
0x1ac: {  	vm0 =	vgt.s32 v10, $0xC3FF;
	v3 =	vld.idx.msk [tilespmem:v3+s12+$0x0], $0xffff;
	v7 =	vsel vm1, v12, v7;
	v12 =	vadd.s32 $0xFFFF3C00, v10  }
0x1ad: {  	v4 =	vld.idx.msk [tilespmem:v4+s12+$0x0], $0xffff;
	v10 =	vsel vm0, v12, v10;
	v12 =	vand.u32 $0xFFFF0000, v0  }
0x1ae: {  	v6 =	vld.idx.msk [tilespmem:v6+s12+$0x0], $0xffff;
	v0 =	vshll.u32 v0, $0x10;
	v13 =	vand.u32 $0xFFFF0000, v1;
	v1 =	vshll.u32 v1, $0x10  }
0x1af: {  	v14 =	vld.idx.msk [tilespmem:v5+s12+$0x0], $0xffff;
	v0 =	vsel vm4, v12, v0;
	v5 =	vand.u32 $0xFFFF0000, v2;
	v1 =	vsel vm8, v13, v1  }
0x1b0: {  	v2 =	vshll.u32 v2, $0x10;
	v8 =	vld.idx.msk [tilespmem:v8+s12+$0x0], $0xffff;
	v0 =	vmul.f32 v0, v11;
	v11 =	vmul.f32 v1, v9  }
0x1b1: {  	v7 =	vld.idx.msk [tilespmem:v7+s12+$0x0], $0xffff;
	v13 =	vsel vm2, v5, v2;
	v1 =	vand.u32 $0xFFFF0000, v3;
	v2 =	vshll.u32 v3, $0x10  }
0x1b2: {  	v10 =	vld.idx.msk [tilespmem:v10+s12+$0x0], $0xffff;
	v3 =	vshll.u32 v4, $0x10;
	v1 =	vsel vm5, v1, v2;
	v2 =	vand.u32 $0xFFFF0000, v4  }
0x1b3: {  	v12 =	vld [tilespmem:s13+$0xFFFFFFB0];
	v4 =	vshll.u32 v6, $0x10;
	v2 =	vsel vm6, v2, v3;
	v3 =	vand.u32 $0xFFFF0000, v6  }
0x1b4: {  	v5 =	vld [tilespmem:s13+$0xFFFFFFD0];
	[tilespmem:s21+$0x1D900] =	vst v11;
	v11 =	vmul.f32 v13, v15;
	v3 =	vsel vm7, v3, v4;
	v4 =	vand.u32 $0xFFFF0000, v14  }
0x1b5: {  	v6 =	vld [tilespmem:s13+$0xFFFFFFE0];
	v9 =	vshll.u32 v14, $0x10;
	v14 =	vand.u32 $0xFFFF0000, v8;
	v8 =	vshll.u32 v8, $0x10  }
0x1b6: {  	v16 =	vand.u32 $0xFFFF0000, v7;
	v7 =	vshll.u32 v7, $0x10;
	v14 =	vsel vm9, v14, v8;
	v8 =	vld [tilespmem:s13+$0xFFFFFFF0]  }
0x1b7: {  	s31 =	simm.s32 $0x1B1F0;
	[tilespmem:s13+$0x40] =	vst v0;
	v4 =	vsel vm3, v4, v9;
	v9 =	vld [tilespmem:s13+$0x0];
	v0 =	vand.u32 $0xFFFF0000, v10;
	v62 =	vshll.u32 v10, $0x10  }
0x1b8: {  	s15 =	simm.s32 $0x0;
	s14 =	simm.s32 $0x1D8D0;
	s20 =	simm.s32 $0xA0;
	v7 =	vsel vm1, v16, v7;
	v10 =	vld [tilespmem:s13+$0x10];
	v0 =	vsel vm0, v0, v62;
	v12 =	vmul.f32 v14, v12  }
.LBB2_9:
0x1b9: {  	s21 =	sand.u32 $0x3FE0, s20;
	v13 =	vld [tilespmem:s31+$0x40];
	s15 =	sadd.s32 $0xA, s15;
	v1 =	vmul.f32 v1, v5  }
0x1ba: {  	v5 =	vld [tilespmem:s21+$0x1B180];
	p0 =	slt.u32 s15, $0x262;
	[tilespmem:s13+$0xFFFFFFB0] =	vst v12;
	v2 =	vmul.f32 v2, v6  }
0x1bb: {  	v6 =	vld [tilespmem:s31+$0xFFFFFFC0];
	[tilespmem:s13+$0xFFFFFFC0] =	vst v11;
	v3 =	vmul.f32 v3, v8  }
0x1bc: {  	v8 =	vld [tilespmem:s31+$0xFFFFFFD0];
	[tilespmem:s13+$0xFFFFFFD0] =	vst v1;
	v1 =	vmul.f32 v4, v9  }
0x1bd: {  	v4 =	vld [tilespmem:s31+$0xFFFFFFE0];
	[tilespmem:s13+$0xFFFFFFE0] =	vst v2;
	v2 =	vmul.f32 v7, v10  }
0x1be: {  	v7 =	vld [tilespmem:s31+$0xFFFFFFF0];
	vm7 =	vgt.s32 v13, $0xC3FF;
	v9 =	vadd.s32 $0xFFFF3C00, v13;
	[tilespmem:s13+$0xFFFFFFF0] =	vst v3  }
0x1bf: {  	v3 =	vld [tilespmem:s31+$0x0];
	vm8 =	vgt.s32 v5, $0xC3FF;
	v10 =	vadd.s32 $0xFFFF3C00, v5;
	v9 =	vsel vm7, v9, v13;
	[tilespmem:s13+$0x0] =	vst v1  }
0x1c0: {  	vm6 =	vgt.s32 v6, $0xC3FF;
	v1 =	vadd.s32 $0xFFFF3C00, v6;
	v11 =	vld [tilespmem:s31+$0x10];
	v5 =	vsel vm8, v10, v5;
	[tilespmem:s13+$0x10] =	vst v2  }
0x1c1: {  	v1 =	vsel vm6, v1, v6;
	vm3 =	vgt.s32 v8, $0xC3FF;
	v2 =	vadd.s32 $0xFFFF3C00, v8;
	v6 =	vld [tilespmem:s31+$0x20]  }
0x1c2: {  	v10 =	vld [tilespmem:s31+$0xFFFFFFB0];
	v2 =	vsel vm3, v2, v8;
	vm5 =	vgt.s32 v4, $0xC3FF;
	v8 =	vadd.s32 $0xFFFF3C00, v4  }
0x1c3: {  	v4 =	vsel vm5, v8, v4;
	vm4 =	vgt.s32 v7, $0xC3FF;
	v8 =	vadd.s32 $0xFFFF3C00, v7;
	v12 =	vld [tilespmem:s13+$0x20]  }
0x1c4: {  	v7 =	vsel vm4, v8, v7;
	vm2 =	vgt.s32 v3, $0xC3FF;
	v8 =	vadd.s32 $0xFFFF3C00, v3;
	v9 =	vld.idx.msk [tilespmem:v9+s12+$0x0], $0xffff  }
0x1c5: {  	v3 =	vsel vm2, v8, v3;
	vm1 =	vgt.s32 v11, $0xC3FF;
	v8 =	vadd.s32 $0xFFFF3C00, v11;
	v5 =	vld.idx.msk [tilespmem:v5+s12+$0x0], $0xffff  }
0x1c6: {  	s13 =	sadd.s32 $0xA0, s13;
	v1 =	vld.idx.msk [tilespmem:v1+s12+$0x0], $0xffff;
	v8 =	vsel vm1, v8, v11;
	vm0 =	vgt.s32 v6, $0xC3FF;
	v11 =	vadd.s32 $0xFFFF3C00, v6  }
0x1c7: {  	vm9 =	vgt.s32 v10, $0xC3FF;
	v13 =	vadd.s32 $0xFFFF3C00, v10;
	v6 =	vsel vm0, v11, v6;
	v11 =	vld [tilespmem:s13+$0x40]  }
0x1c8: {  	v10 =	vsel vm9, v13, v10;
	v13 =	vld [tilespmem:s21+$0x1D900];
	v0 =	vmul.f32 v0, v12  }
0x1c9: {  	v2 =	vld.idx.msk [tilespmem:v2+s12+$0x0], $0xffff  }
0x1ca: {  	v12 =	vand.u32 $0xFFFF0000, v9;
	v9 =	vshll.u32 v9, $0x10;
	v4 =	vld.idx.msk [tilespmem:v4+s12+$0x0], $0xffff;
	[tilespmem:s14+$0x20] =	vst v0;
	s14 =	smov.u32 s13  }
0x1cb: {  	v9 =	vsel vm7, v12, v9;
	v0 =	vld.idx.msk [tilespmem:v7+s12+$0x0], $0xffff;
	v7 =	vand.u32 $0xFFFF0000, v5;
	v5 =	vshll.u32 v5, $0x10  }
0x1cc: {  	v12 =	vand.u32 $0xFFFF0000, v1;
	v14 =	vld.idx.msk [tilespmem:v3+s12+$0x0], $0xffff;
	v3 =	vsel vm8, v7, v5;
	v5 =	vmul.f32 v9, v11  }
0x1cd: {  	v1 =	vshll.u32 v1, $0x10;
	v7 =	vld.idx.msk [tilespmem:v10+s12+$0x0], $0xffff;
	v3 =	vmul.f32 v3, v13  }
0x1ce: {  	v10 =	vsel vm6, v12, v1;
	v9 =	vld.idx.msk [tilespmem:v8+s12+$0x0], $0xffff;
	[tilespmem:s13+$0x40] =	vst v5  }
0x1cf: {  	v1 =	vand.u32 $0xFFFF0000, v2;
	v2 =	vshll.u32 v2, $0x10;
	v11 =	vld.idx.msk [tilespmem:v6+s12+$0x0], $0xffff;
	[tilespmem:s21+$0x1D900] =	vst v3  }
0x1d0: {  	v1 =	vsel vm3, v1, v2;
	v2 =	vand.u32 $0xFFFF0000, v4;
	v3 =	vshll.u32 v4, $0x10;
	v12 =	vld [tilespmem:s13+$0xFFFFFFB0]  }
0x1d1: {  	v2 =	vsel vm5, v2, v3;
	v3 =	vand.u32 $0xFFFF0000, v0;
	v0 =	vshll.u32 v0, $0x10;
	v13 =	vld [tilespmem:s13+$0xFFFFFFC0]  }
.Ltmp3:
0x1d2: {  	v3 =	vsel vm4, v3, v0;
	v0 =	vand.u32 $0xFFFF0000, v14;
	v4 =	vshll.u32 v14, $0x10;
	v5 =	vld [tilespmem:s13+$0xFFFFFFD0];
	(pc) =	sbr.rel @p0 .LBB2_9-.Ltmp3, $4  }
0x1d3: {  	v8 =	vand.u32 $0xFFFF0000, v7;
	v7 =	vshll.u32 v7, $0x10;
	v4 =	vsel vm2, v0, v4;
	v6 =	vld [tilespmem:s13+$0xFFFFFFE0]  }
0x1d4: {  	v0 =	vsel vm9, v8, v7;
	v7 =	vand.u32 $0xFFFF0000, v9;
	v14 =	vshll.u32 v9, $0x10;
	v8 =	vld [tilespmem:s13+$0xFFFFFFF0]  }
0x1d5: {  	v7 =	vsel vm1, v7, v14;
	v14 =	vand.u32 $0xFFFF0000, v11;
	v15 =	vshll.u32 v11, $0x10;
	v9 =	vld [tilespmem:s13+$0x0]  }
0x1d6: {  	s20 =	sadd.s32 $0xA0, s20;
	s31 =	sadd.s32 $0xA0, s31;
	v12 =	vmul.f32 v0, v12;
	v0 =	vsel vm0, v14, v15;
	v11 =	vmul.f32 v10, v13;
	v10 =	vld [tilespmem:s13+$0x10]  }
0x1d7: {  	_ = 	snop  }
0x1d8: {  	v1 =	vmul.f32 v1, v5;
	v60 =	vld [tilespmem:s13+$0x20];
	[tilespmem:s13+$0xFFFFFFB0] =	vst v12  }
0x1d9: {  	v2 =	vmul.f32 v2, v6;
	[tilespmem:s13+$0xFFFFFFC0] =	vst v11  }
0x1da: {  	v3 =	vmul.f32 v3, v8;
	[tilespmem:s13+$0xFFFFFFD0] =	vst v1  }
0x1db: {  	v61 =	vmul.f32 v4, v9;
	[tilespmem:s13+$0xFFFFFFE0] =	vst v2  }
0x1dc: {  	v62 =	vmul.f32 v7, v10;
	[tilespmem:s13+$0xFFFFFFF0] =	vst v3  }
0x1dd: {  	[tilespmem:s13+$0x0] =	vst v61;
	v0 =	vmul.f32 v0, v60  }
0x1de: {  	[tilespmem:s13+$0x10] =	vst v62  }
0x1df: {  	[tilespmem:s14+$0x20] =	vst v0  }
.LBB2_11:
0x1e0: {  	s13 =	sshra.s32 s12, $0x2  }
0x1e1: {  	v0 =	vld [tilespmem:s13+$0x1D7C0];
	_ =	sdelay $0x4  }
0x1e2: {  	vm0 =	vgt.s32 v0, $0xC3FF;
	v1 =	vadd.s32 $0xFFFF3C00, v0  }
0x1e3: {  	v0 =	vsel vm0, v1, v0;
	_ =	sdelay $0x4  }
0x1e4: {  	v0 =	vld.idx.msk [tilespmem:v0+s5+$0x0], $0xffff;
	_ =	sdelay $0x1  }
0x1e5: {  	v62 =	vld [tilespmem:s13+$0x1FF40];
	_ =	sdelay $0x1  }
0x1e6: {  	p0 =	sne.s32 s12, $0x100  }
.Ltmp4:
0x1e7: {  	v2 =	vand.u32 $0xFFFF0000, v0;
	v0 =	vshll.u32 v0, $0x10;
	(pc) =	sbr.rel @p0 .LBB2_11-.Ltmp4, $3  }
0x1e8: {  	v0 =	vsel vm0, v2, v0  }
0x1e9: {  	v0 =	vmul.f32 v0, v62;
	_ =	sdelay $0x1  }
0x1ea: {  	s12 =	sadd.s32 $0x40, s12;
	[tilespmem:s13+$0x1FF40] =	vst v0  }
0x1eb: {  	s11 =	sshrl.u32 s11, $0x3  }
0x1ec: {  	s11 =	sadd.s32 s4, s11  }
0x1ed: {  	[hbm4b:s11+s5] =	stream.linear.scatter [tilespmem:s23], [sflag:$0xD], $0x2710, $0x38;
	v63 =	vld [tilespmem:$0x0]  }
0x1ee: {  	s11 =	sadd.s32 s30, s17  }
0x1ef: {  	s12 =	sadd.s32 $0x4E20, s11  }
0x1f0: {  	p0 =	sge.u32 s12, s16  }
0x1f1: {  	s13 =	simm.s32 @!p0 $0xC  }
0x1f2: {  	_ =	swait.ge @!p0 [sflag:s13], $0x2710  }
0x1f3: {  	s12 =	sshrl.u32 @!p0 s12, $0x3;
	s14 =	simm.s32 @!p0 $0x0;
	[sflag:s13] =	ssyncset.done @!p0 $0x0  }
0x1f4: {  	s15 =	simm.s32 @!p0 $0x16200;
	[sflag:s13] =	ssyncadd.s32 @!p0 $0xFFFFD8F0;
	s13 =	sadd.s32 @!p0 s1, s12  }
0x1f5: {  	[tilespmem:s15], [sflag:$0x4] =	stream.linear.gather @!p0 [hbm4b:s13+s14], $0x2710, $0x38;
	v63 =	vld [tilespmem:$0x0]  }
0x1f6: {  	s12 =	sadd.s32 @!p0 s2, s12;
	s13 =	simm.s32 @!p0 $0x18980  }
0x1f7: {  	[tilespmem:s13], [sflag:$0x8] =	stream.linear.gather @!p0 [hbm4b:s12+s14], $0x2710, $0x38;
	v63 =	vld [tilespmem:$0x0]  }
0x1f8: {  	_ =	swait.ge [sflag:s26], $0x2710  }
0x1f9: {  	[sflag:s26] =	ssyncset.done $0x0  }
0x1fa: {  	[sflag:s26] =	ssyncadd.s32 $0xFFFFD8F0  }
0x1fb: {  	_ =	swait.ge [sflag:s9], $0x2710  }
0x1fc: {  	[sflag:s9] =	ssyncset.done $0x0  }
0x1fd: {  	s20 =	simm.s32 $0xC450;
	s12 =	simm.s32 $0x0;
	[sflag:s9] =	ssyncadd.s32 $0xFFFFD8F0  }
0x1fe: {  	s21 =	sand.u32 $0x3FE0, s12;
	v0 =	vld [tilespmem:s20+$0x40]  }
0x1ff: {  	v1 =	vld [tilespmem:s21+$0xC480]  }
0x200: {  	v2 =	vld [tilespmem:s20+$0xFFFFFFC0]  }
0x201: {  	v3 =	vld [tilespmem:s20+$0xFFFFFFD0]  }
0x202: {  	v4 =	vld [tilespmem:s20+$0xFFFFFFE0]  }
0x203: {  	v6 =	vld [tilespmem:s20+$0xFFFFFFF0]  }
0x204: {  	s13 =	simm.s32 $0xEBD0;
	v10 =	vld [tilespmem:s20+$0x20];
	vm4 =	vgt.s32 v0, $0xC3FF;
	v5 =	vadd.s32 $0xFFFF3C00, v0  }
0x205: {  	v11 =	vld [tilespmem:s13+$0x40];
	vm8 =	vgt.s32 v1, $0xC3FF;
	v7 =	vadd.s32 $0xFFFF3C00, v1;
	v0 =	vsel vm4, v5, v0  }
0x206: {  	vm2 =	vgt.s32 v2, $0xC3FF;
	v8 =	vadd.s32 $0xFFFF3C00, v2;
	v5 =	vld [tilespmem:s20+$0x0];
	v1 =	vsel vm8, v7, v1  }
0x207: {  	v2 =	vsel vm2, v8, v2;
	v8 =	vld [tilespmem:s20+$0xFFFFFFB0]  }
0x208: {  	vm5 =	vgt.s32 v3, $0xC3FF;
	v9 =	vadd.s32 $0xFFFF3C00, v3;
	v7 =	vld [tilespmem:s20+$0x10]  }
0x209: {  	v15 =	vld [tilespmem:s13+$0xFFFFFFC0];
	vm6 =	vgt.s32 v4, $0xC3FF;
	v3 =	vsel vm5, v9, v3;
	v9 =	vadd.s32 $0xFFFF3C00, v4  }
0x20a: {  	vm7 =	vgt.s32 v6, $0xC3FF;
	v4 =	vsel vm6, v9, v4;
	v9 =	vadd.s32 $0xFFFF3C00, v6;
	v0 =	vld.idx.msk [tilespmem:v0+s12+$0x0], $0xffff  }
0x20b: {  	v6 =	vsel vm7, v9, v6;
	v1 =	vld.idx.msk [tilespmem:v1+s12+$0x0], $0xffff;
	vm3 =	vgt.s32 v5, $0xC3FF;
	v9 =	vadd.s32 $0xFFFF3C00, v5  }
0x20c: {  	v2 =	vld.idx.msk [tilespmem:v2+s12+$0x0], $0xffff;
	vm9 =	vgt.s32 v8, $0xC3FF;
	v5 =	vsel vm3, v9, v5;
	v9 =	vadd.s32 $0xFFFF3C00, v8  }
0x20d: {  	vm1 =	vgt.s32 v7, $0xC3FF;
	v12 =	vadd.s32 $0xFFFF3C00, v7;
	v8 =	vsel vm9, v9, v8;
	v9 =	vld [tilespmem:s21+$0xEC00]  }
0x20e: {  	vm0 =	vgt.s32 v10, $0xC3FF;
	v3 =	vld.idx.msk [tilespmem:v3+s12+$0x0], $0xffff;
	v7 =	vsel vm1, v12, v7;
	v12 =	vadd.s32 $0xFFFF3C00, v10  }
0x20f: {  	v4 =	vld.idx.msk [tilespmem:v4+s12+$0x0], $0xffff;
	v10 =	vsel vm0, v12, v10;
	v12 =	vand.u32 $0xFFFF0000, v0  }
0x210: {  	v6 =	vld.idx.msk [tilespmem:v6+s12+$0x0], $0xffff;
	v0 =	vshll.u32 v0, $0x10;
	v13 =	vand.u32 $0xFFFF0000, v1;
	v1 =	vshll.u32 v1, $0x10  }
0x211: {  	v14 =	vld.idx.msk [tilespmem:v5+s12+$0x0], $0xffff;
	v0 =	vsel vm4, v12, v0;
	v5 =	vand.u32 $0xFFFF0000, v2;
	v1 =	vsel vm8, v13, v1  }
0x212: {  	v2 =	vshll.u32 v2, $0x10;
	v8 =	vld.idx.msk [tilespmem:v8+s12+$0x0], $0xffff;
	v0 =	vmul.f32 v0, v11;
	v11 =	vmul.f32 v1, v9  }
0x213: {  	v7 =	vld.idx.msk [tilespmem:v7+s12+$0x0], $0xffff;
	v13 =	vsel vm2, v5, v2;
	v1 =	vand.u32 $0xFFFF0000, v3;
	v2 =	vshll.u32 v3, $0x10  }
0x214: {  	v10 =	vld.idx.msk [tilespmem:v10+s12+$0x0], $0xffff;
	v3 =	vshll.u32 v4, $0x10;
	v1 =	vsel vm5, v1, v2;
	v2 =	vand.u32 $0xFFFF0000, v4  }
0x215: {  	v12 =	vld [tilespmem:s13+$0xFFFFFFB0];
	v4 =	vshll.u32 v6, $0x10;
	v2 =	vsel vm6, v2, v3;
	v3 =	vand.u32 $0xFFFF0000, v6  }
0x216: {  	v5 =	vld [tilespmem:s13+$0xFFFFFFD0];
	[tilespmem:s21+$0xEC00] =	vst v11;
	v11 =	vmul.f32 v13, v15;
	v3 =	vsel vm7, v3, v4;
	v4 =	vand.u32 $0xFFFF0000, v14  }
0x217: {  	v6 =	vld [tilespmem:s13+$0xFFFFFFE0];
	v9 =	vshll.u32 v14, $0x10;
	v14 =	vand.u32 $0xFFFF0000, v8;
	v8 =	vshll.u32 v8, $0x10  }
0x218: {  	v16 =	vand.u32 $0xFFFF0000, v7;
	v7 =	vshll.u32 v7, $0x10;
	v14 =	vsel vm9, v14, v8;
	v8 =	vld [tilespmem:s13+$0xFFFFFFF0]  }
0x219: {  	s31 =	simm.s32 $0xC4F0;
	[tilespmem:s13+$0x40] =	vst v0;
	v4 =	vsel vm3, v4, v9;
	v9 =	vld [tilespmem:s13+$0x0];
	v0 =	vand.u32 $0xFFFF0000, v10;
	v62 =	vshll.u32 v10, $0x10  }
0x21a: {  	s15 =	simm.s32 $0x0;
	s14 =	simm.s32 $0xEBD0;
	s20 =	simm.s32 $0xA0;
	v7 =	vsel vm1, v16, v7;
	v10 =	vld [tilespmem:s13+$0x10];
	v0 =	vsel vm0, v0, v62;
	v12 =	vmul.f32 v14, v12  }
.LBB2_13:
0x21b: {  	s21 =	sand.u32 $0x3FE0, s20;
	v13 =	vld [tilespmem:s31+$0x40];
	s15 =	sadd.s32 $0xA, s15;
	v1 =	vmul.f32 v1, v5  }
0x21c: {  	v5 =	vld [tilespmem:s21+$0xC480];
	p0 =	slt.u32 s15, $0x262;
	[tilespmem:s13+$0xFFFFFFB0] =	vst v12;
	v2 =	vmul.f32 v2, v6  }
0x21d: {  	v6 =	vld [tilespmem:s31+$0xFFFFFFC0];
	[tilespmem:s13+$0xFFFFFFC0] =	vst v11;
	v3 =	vmul.f32 v3, v8  }
0x21e: {  	v8 =	vld [tilespmem:s31+$0xFFFFFFD0];
	[tilespmem:s13+$0xFFFFFFD0] =	vst v1;
	v1 =	vmul.f32 v4, v9  }
0x21f: {  	v4 =	vld [tilespmem:s31+$0xFFFFFFE0];
	[tilespmem:s13+$0xFFFFFFE0] =	vst v2;
	v2 =	vmul.f32 v7, v10  }
0x220: {  	v7 =	vld [tilespmem:s31+$0xFFFFFFF0];
	vm7 =	vgt.s32 v13, $0xC3FF;
	v9 =	vadd.s32 $0xFFFF3C00, v13;
	[tilespmem:s13+$0xFFFFFFF0] =	vst v3  }
0x221: {  	v3 =	vld [tilespmem:s31+$0x0];
	vm8 =	vgt.s32 v5, $0xC3FF;
	v10 =	vadd.s32 $0xFFFF3C00, v5;
	v9 =	vsel vm7, v9, v13;
	[tilespmem:s13+$0x0] =	vst v1  }
0x222: {  	vm6 =	vgt.s32 v6, $0xC3FF;
	v1 =	vadd.s32 $0xFFFF3C00, v6;
	v11 =	vld [tilespmem:s31+$0x10];
	v5 =	vsel vm8, v10, v5;
	[tilespmem:s13+$0x10] =	vst v2  }
0x223: {  	v1 =	vsel vm6, v1, v6;
	vm3 =	vgt.s32 v8, $0xC3FF;
	v2 =	vadd.s32 $0xFFFF3C00, v8;
	v6 =	vld [tilespmem:s31+$0x20]  }
0x224: {  	v10 =	vld [tilespmem:s31+$0xFFFFFFB0];
	v2 =	vsel vm3, v2, v8;
	vm5 =	vgt.s32 v4, $0xC3FF;
	v8 =	vadd.s32 $0xFFFF3C00, v4  }
0x225: {  	v4 =	vsel vm5, v8, v4;
	vm4 =	vgt.s32 v7, $0xC3FF;
	v8 =	vadd.s32 $0xFFFF3C00, v7;
	v12 =	vld [tilespmem:s13+$0x20]  }
0x226: {  	v7 =	vsel vm4, v8, v7;
	vm2 =	vgt.s32 v3, $0xC3FF;
	v8 =	vadd.s32 $0xFFFF3C00, v3;
	v9 =	vld.idx.msk [tilespmem:v9+s12+$0x0], $0xffff  }
0x227: {  	v3 =	vsel vm2, v8, v3;
	vm1 =	vgt.s32 v11, $0xC3FF;
	v8 =	vadd.s32 $0xFFFF3C00, v11;
	v5 =	vld.idx.msk [tilespmem:v5+s12+$0x0], $0xffff  }
0x228: {  	s13 =	sadd.s32 $0xA0, s13;
	v1 =	vld.idx.msk [tilespmem:v1+s12+$0x0], $0xffff;
	v8 =	vsel vm1, v8, v11;
	vm0 =	vgt.s32 v6, $0xC3FF;
	v11 =	vadd.s32 $0xFFFF3C00, v6  }
0x229: {  	vm9 =	vgt.s32 v10, $0xC3FF;
	v13 =	vadd.s32 $0xFFFF3C00, v10;
	v6 =	vsel vm0, v11, v6;
	v11 =	vld [tilespmem:s13+$0x40]  }
0x22a: {  	v10 =	vsel vm9, v13, v10;
	v13 =	vld [tilespmem:s21+$0xEC00];
	v0 =	vmul.f32 v0, v12  }
0x22b: {  	v2 =	vld.idx.msk [tilespmem:v2+s12+$0x0], $0xffff  }
0x22c: {  	v12 =	vand.u32 $0xFFFF0000, v9;
	v9 =	vshll.u32 v9, $0x10;
	v4 =	vld.idx.msk [tilespmem:v4+s12+$0x0], $0xffff;
	[tilespmem:s14+$0x20] =	vst v0;
	s14 =	smov.u32 s13  }
0x22d: {  	v9 =	vsel vm7, v12, v9;
	v0 =	vld.idx.msk [tilespmem:v7+s12+$0x0], $0xffff;
	v7 =	vand.u32 $0xFFFF0000, v5;
	v5 =	vshll.u32 v5, $0x10  }
0x22e: {  	v12 =	vand.u32 $0xFFFF0000, v1;
	v14 =	vld.idx.msk [tilespmem:v3+s12+$0x0], $0xffff;
	v3 =	vsel vm8, v7, v5;
	v5 =	vmul.f32 v9, v11  }
0x22f: {  	v1 =	vshll.u32 v1, $0x10;
	v7 =	vld.idx.msk [tilespmem:v10+s12+$0x0], $0xffff;
	v3 =	vmul.f32 v3, v13  }
0x230: {  	v10 =	vsel vm6, v12, v1;
	v9 =	vld.idx.msk [tilespmem:v8+s12+$0x0], $0xffff;
	[tilespmem:s13+$0x40] =	vst v5  }
0x231: {  	v1 =	vand.u32 $0xFFFF0000, v2;
	v2 =	vshll.u32 v2, $0x10;
	v11 =	vld.idx.msk [tilespmem:v6+s12+$0x0], $0xffff;
	[tilespmem:s21+$0xEC00] =	vst v3  }
0x232: {  	v1 =	vsel vm3, v1, v2;
	v2 =	vand.u32 $0xFFFF0000, v4;
	v3 =	vshll.u32 v4, $0x10;
	v12 =	vld [tilespmem:s13+$0xFFFFFFB0]  }
0x233: {  	v2 =	vsel vm5, v2, v3;
	v3 =	vand.u32 $0xFFFF0000, v0;
	v0 =	vshll.u32 v0, $0x10;
	v13 =	vld [tilespmem:s13+$0xFFFFFFC0]  }
.Ltmp5:
0x234: {  	v3 =	vsel vm4, v3, v0;
	v0 =	vand.u32 $0xFFFF0000, v14;
	v4 =	vshll.u32 v14, $0x10;
	v5 =	vld [tilespmem:s13+$0xFFFFFFD0];
	(pc) =	sbr.rel @p0 .LBB2_13-.Ltmp5, $4  }
0x235: {  	v8 =	vand.u32 $0xFFFF0000, v7;
	v7 =	vshll.u32 v7, $0x10;
	v4 =	vsel vm2, v0, v4;
	v6 =	vld [tilespmem:s13+$0xFFFFFFE0]  }
0x236: {  	v0 =	vsel vm9, v8, v7;
	v7 =	vand.u32 $0xFFFF0000, v9;
	v14 =	vshll.u32 v9, $0x10;
	v8 =	vld [tilespmem:s13+$0xFFFFFFF0]  }
0x237: {  	v7 =	vsel vm1, v7, v14;
	v14 =	vand.u32 $0xFFFF0000, v11;
	v15 =	vshll.u32 v11, $0x10;
	v9 =	vld [tilespmem:s13+$0x0]  }
0x238: {  	s20 =	sadd.s32 $0xA0, s20;
	s31 =	sadd.s32 $0xA0, s31;
	v12 =	vmul.f32 v0, v12;
	v0 =	vsel vm0, v14, v15;
	v11 =	vmul.f32 v10, v13;
	v10 =	vld [tilespmem:s13+$0x10]  }
0x239: {  	_ = 	snop  }
0x23a: {  	v1 =	vmul.f32 v1, v5;
	v60 =	vld [tilespmem:s13+$0x20];
	[tilespmem:s13+$0xFFFFFFB0] =	vst v12  }
0x23b: {  	v2 =	vmul.f32 v2, v6;
	[tilespmem:s13+$0xFFFFFFC0] =	vst v11  }
0x23c: {  	v3 =	vmul.f32 v3, v8;
	[tilespmem:s13+$0xFFFFFFD0] =	vst v1  }
0x23d: {  	v61 =	vmul.f32 v4, v9;
	[tilespmem:s13+$0xFFFFFFE0] =	vst v2  }
0x23e: {  	v62 =	vmul.f32 v7, v10;
	[tilespmem:s13+$0xFFFFFFF0] =	vst v3  }
0x23f: {  	[tilespmem:s13+$0x0] =	vst v61;
	v0 =	vmul.f32 v0, v60  }
0x240: {  	[tilespmem:s13+$0x10] =	vst v62  }
0x241: {  	[tilespmem:s14+$0x20] =	vst v0  }
.LBB2_15:
0x242: {  	s13 =	sshra.s32 s12, $0x2  }
0x243: {  	v0 =	vld [tilespmem:s13+$0xEAC0];
	_ =	sdelay $0x4  }
0x244: {  	vm0 =	vgt.s32 v0, $0xC3FF;
	v1 =	vadd.s32 $0xFFFF3C00, v0  }
0x245: {  	v0 =	vsel vm0, v1, v0;
	_ =	sdelay $0x4  }
0x246: {  	v0 =	vld.idx.msk [tilespmem:v0+s5+$0x0], $0xffff;
	_ =	sdelay $0x1  }
0x247: {  	v62 =	vld [tilespmem:s13+$0x11240];
	_ =	sdelay $0x1  }
0x248: {  	p0 =	sne.s32 s12, $0x100  }
.Ltmp6:
0x249: {  	v2 =	vand.u32 $0xFFFF0000, v0;
	v0 =	vshll.u32 v0, $0x10;
	(pc) =	sbr.rel @p0 .LBB2_15-.Ltmp6, $3  }
0x24a: {  	v0 =	vsel vm0, v2, v0  }
0x24b: {  	v0 =	vmul.f32 v0, v62;
	_ =	sdelay $0x1  }
0x24c: {  	s12 =	sadd.s32 $0x40, s12;
	[tilespmem:s13+$0x11240] =	vst v0  }
0x24d: {  	s11 =	sshrl.u32 s11, $0x3  }
0x24e: {  	s11 =	sadd.s32 s4, s11  }
0x24f: {  	[hbm4b:s11+s5] =	stream.linear.scatter [tilespmem:s24], [sflag:$0xA], $0x2710, $0x38;
	v63 =	vld [tilespmem:$0x0]  }
0x250: {  	s11 =	sadd.s32 s30, s18  }
0x251: {  	s12 =	sadd.s32 $0x4E20, s11  }
0x252: {  	p0 =	sge.u32 s12, s16  }
0x253: {  	s13 =	simm.s32 @!p0 $0xD  }
0x254: {  	_ =	swait.ge @!p0 [sflag:s13], $0x2710  }
0x255: {  	s12 =	sshrl.u32 @!p0 s12, $0x3;
	s14 =	simm.s32 @!p0 $0x0;
	[sflag:s13] =	ssyncset.done @!p0 $0x0  }
0x256: {  	s15 =	simm.s32 @!p0 $0x1B100;
	[sflag:s13] =	ssyncadd.s32 @!p0 $0xFFFFD8F0;
	s13 =	sadd.s32 @!p0 s1, s12  }
0x257: {  	[tilespmem:s15], [sflag:$0x5] =	stream.linear.gather @!p0 [hbm4b:s13+s14], $0x2710, $0x38;
	v63 =	vld [tilespmem:$0x0]  }
0x258: {  	s12 =	sadd.s32 @!p0 s2, s12;
	s13 =	simm.s32 @!p0 $0x1D880  }
0x259: {  	[tilespmem:s13], [sflag:$0x9] =	stream.linear.gather @!p0 [hbm4b:s12+s14], $0x2710, $0x38;
	v63 =	vld [tilespmem:$0x0]  }
0x25a: {  	_ =	swait.ge [sflag:s28], $0x2710  }
0x25b: {  	[sflag:s28] =	ssyncset.done $0x0  }
0x25c: {  	[sflag:s28] =	ssyncadd.s32 $0xFFFFD8F0  }
0x25d: {  	_ =	swait.ge [sflag:s10], $0x2710  }
0x25e: {  	[sflag:s10] =	ssyncset.done $0x0  }
0x25f: {  	s21 =	simm.s32 $0x11350;
	s12 =	simm.s32 $0x0;
	[sflag:s10] =	ssyncadd.s32 $0xFFFFD8F0  }
0x260: {  	s31 =	sand.u32 $0x3FE0, s12;
	v0 =	vld [tilespmem:s21+$0x40]  }
0x261: {  	v1 =	vld [tilespmem:s31+$0x11380]  }
0x262: {  	v2 =	vld [tilespmem:s21+$0xFFFFFFC0]  }
0x263: {  	v3 =	vld [tilespmem:s21+$0xFFFFFFD0]  }
0x264: {  	v4 =	vld [tilespmem:s21+$0xFFFFFFE0]  }
0x265: {  	v6 =	vld [tilespmem:s21+$0xFFFFFFF0]  }
0x266: {  	s13 =	simm.s32 $0x13AD0;
	v10 =	vld [tilespmem:s21+$0x20];
	vm4 =	vgt.s32 v0, $0xC3FF;
	v5 =	vadd.s32 $0xFFFF3C00, v0  }
0x267: {  	v11 =	vld [tilespmem:s13+$0x40];
	vm8 =	vgt.s32 v1, $0xC3FF;
	v7 =	vadd.s32 $0xFFFF3C00, v1;
	v0 =	vsel vm4, v5, v0  }
0x268: {  	vm2 =	vgt.s32 v2, $0xC3FF;
	v8 =	vadd.s32 $0xFFFF3C00, v2;
	v5 =	vld [tilespmem:s21+$0x0];
	v1 =	vsel vm8, v7, v1  }
0x269: {  	v2 =	vsel vm2, v8, v2;
	v8 =	vld [tilespmem:s21+$0xFFFFFFB0]  }
0x26a: {  	vm5 =	vgt.s32 v3, $0xC3FF;
	v9 =	vadd.s32 $0xFFFF3C00, v3;
	v7 =	vld [tilespmem:s21+$0x10]  }
0x26b: {  	v15 =	vld [tilespmem:s13+$0xFFFFFFC0];
	vm6 =	vgt.s32 v4, $0xC3FF;
	v3 =	vsel vm5, v9, v3;
	v9 =	vadd.s32 $0xFFFF3C00, v4  }
0x26c: {  	vm7 =	vgt.s32 v6, $0xC3FF;
	v4 =	vsel vm6, v9, v4;
	v9 =	vadd.s32 $0xFFFF3C00, v6;
	v0 =	vld.idx.msk [tilespmem:v0+s12+$0x0], $0xffff  }
0x26d: {  	v6 =	vsel vm7, v9, v6;
	v1 =	vld.idx.msk [tilespmem:v1+s12+$0x0], $0xffff;
	vm3 =	vgt.s32 v5, $0xC3FF;
	v9 =	vadd.s32 $0xFFFF3C00, v5  }
0x26e: {  	v2 =	vld.idx.msk [tilespmem:v2+s12+$0x0], $0xffff;
	vm9 =	vgt.s32 v8, $0xC3FF;
	v5 =	vsel vm3, v9, v5;
	v9 =	vadd.s32 $0xFFFF3C00, v8  }
0x26f: {  	vm1 =	vgt.s32 v7, $0xC3FF;
	v12 =	vadd.s32 $0xFFFF3C00, v7;
	v8 =	vsel vm9, v9, v8;
	v9 =	vld [tilespmem:s31+$0x13B00]  }
0x270: {  	vm0 =	vgt.s32 v10, $0xC3FF;
	v3 =	vld.idx.msk [tilespmem:v3+s12+$0x0], $0xffff;
	v7 =	vsel vm1, v12, v7;
	v12 =	vadd.s32 $0xFFFF3C00, v10  }
0x271: {  	v4 =	vld.idx.msk [tilespmem:v4+s12+$0x0], $0xffff;
	v10 =	vsel vm0, v12, v10;
	v12 =	vand.u32 $0xFFFF0000, v0  }
0x272: {  	v6 =	vld.idx.msk [tilespmem:v6+s12+$0x0], $0xffff;
	v0 =	vshll.u32 v0, $0x10;
	v13 =	vand.u32 $0xFFFF0000, v1;
	v1 =	vshll.u32 v1, $0x10  }
0x273: {  	v14 =	vld.idx.msk [tilespmem:v5+s12+$0x0], $0xffff;
	v0 =	vsel vm4, v12, v0;
	v5 =	vand.u32 $0xFFFF0000, v2;
	v1 =	vsel vm8, v13, v1  }
0x274: {  	v2 =	vshll.u32 v2, $0x10;
	v8 =	vld.idx.msk [tilespmem:v8+s12+$0x0], $0xffff;
	v0 =	vmul.f32 v0, v11;
	v11 =	vmul.f32 v1, v9  }
0x275: {  	v7 =	vld.idx.msk [tilespmem:v7+s12+$0x0], $0xffff;
	v13 =	vsel vm2, v5, v2;
	v1 =	vand.u32 $0xFFFF0000, v3;
	v2 =	vshll.u32 v3, $0x10  }
0x276: {  	v10 =	vld.idx.msk [tilespmem:v10+s12+$0x0], $0xffff;
	v3 =	vshll.u32 v4, $0x10;
	v1 =	vsel vm5, v1, v2;
	v2 =	vand.u32 $0xFFFF0000, v4  }
0x277: {  	v12 =	vld [tilespmem:s13+$0xFFFFFFB0];
	v4 =	vshll.u32 v6, $0x10;
	v2 =	vsel vm6, v2, v3;
	v3 =	vand.u32 $0xFFFF0000, v6  }
0x278: {  	v5 =	vld [tilespmem:s13+$0xFFFFFFD0];
	[tilespmem:s31+$0x13B00] =	vst v11;
	v11 =	vmul.f32 v13, v15;
	v3 =	vsel vm7, v3, v4;
	v4 =	vand.u32 $0xFFFF0000, v14  }
0x279: {  	v6 =	vld [tilespmem:s13+$0xFFFFFFE0];
	v9 =	vshll.u32 v14, $0x10;
	v14 =	vand.u32 $0xFFFF0000, v8;
	v8 =	vshll.u32 v8, $0x10  }
0x27a: {  	v16 =	vand.u32 $0xFFFF0000, v7;
	v7 =	vshll.u32 v7, $0x10;
	v14 =	vsel vm9, v14, v8;
	v8 =	vld [tilespmem:s13+$0xFFFFFFF0]  }
0x27b: {  	s20 =	simm.s32 $0xA0;
	[tilespmem:s13+$0x40] =	vst v0;
	v4 =	vsel vm3, v4, v9;
	v9 =	vld [tilespmem:s13+$0x0];
	v0 =	vand.u32 $0xFFFF0000, v10;
	v62 =	vshll.u32 v10, $0x10  }
0x27c: {  	s30 =	simm.s32 $0x113F0;
	s15 =	simm.s32 $0x0;
	s14 =	simm.s32 $0x13AD0;
	v7 =	vsel vm1, v16, v7;
	v10 =	vld [tilespmem:s13+$0x10];
	v0 =	vsel vm0, v0, v62;
	v12 =	vmul.f32 v14, v12  }
.LBB2_17:
0x27d: {  	s21 =	sand.u32 $0x3FE0, s20;
	v13 =	vld [tilespmem:s30+$0x40];
	s15 =	sadd.s32 $0xA, s15;
	v1 =	vmul.f32 v1, v5  }
0x27e: {  	v5 =	vld [tilespmem:s21+$0x11380];
	p0 =	slt.u32 s15, $0x262;
	[tilespmem:s13+$0xFFFFFFB0] =	vst v12;
	v2 =	vmul.f32 v2, v6  }
0x27f: {  	v6 =	vld [tilespmem:s30+$0xFFFFFFC0];
	[tilespmem:s13+$0xFFFFFFC0] =	vst v11;
	v3 =	vmul.f32 v3, v8  }
0x280: {  	v8 =	vld [tilespmem:s30+$0xFFFFFFD0];
	[tilespmem:s13+$0xFFFFFFD0] =	vst v1;
	v1 =	vmul.f32 v4, v9  }
0x281: {  	v4 =	vld [tilespmem:s30+$0xFFFFFFE0];
	[tilespmem:s13+$0xFFFFFFE0] =	vst v2;
	v2 =	vmul.f32 v7, v10  }
0x282: {  	v7 =	vld [tilespmem:s30+$0xFFFFFFF0];
	vm7 =	vgt.s32 v13, $0xC3FF;
	v9 =	vadd.s32 $0xFFFF3C00, v13;
	[tilespmem:s13+$0xFFFFFFF0] =	vst v3  }
0x283: {  	v3 =	vld [tilespmem:s30+$0x0];
	vm8 =	vgt.s32 v5, $0xC3FF;
	v10 =	vadd.s32 $0xFFFF3C00, v5;
	v9 =	vsel vm7, v9, v13;
	[tilespmem:s13+$0x0] =	vst v1  }
0x284: {  	vm6 =	vgt.s32 v6, $0xC3FF;
	v1 =	vadd.s32 $0xFFFF3C00, v6;
	v11 =	vld [tilespmem:s30+$0x10];
	v5 =	vsel vm8, v10, v5;
	[tilespmem:s13+$0x10] =	vst v2  }
0x285: {  	v1 =	vsel vm6, v1, v6;
	vm3 =	vgt.s32 v8, $0xC3FF;
	v2 =	vadd.s32 $0xFFFF3C00, v8;
	v6 =	vld [tilespmem:s30+$0x20]  }
0x286: {  	v10 =	vld [tilespmem:s30+$0xFFFFFFB0];
	v2 =	vsel vm3, v2, v8;
	vm5 =	vgt.s32 v4, $0xC3FF;
	v8 =	vadd.s32 $0xFFFF3C00, v4  }
0x287: {  	v4 =	vsel vm5, v8, v4;
	vm4 =	vgt.s32 v7, $0xC3FF;
	v8 =	vadd.s32 $0xFFFF3C00, v7;
	v12 =	vld [tilespmem:s13+$0x20]  }
0x288: {  	v7 =	vsel vm4, v8, v7;
	vm2 =	vgt.s32 v3, $0xC3FF;
	v8 =	vadd.s32 $0xFFFF3C00, v3;
	v9 =	vld.idx.msk [tilespmem:v9+s12+$0x0], $0xffff  }
0x289: {  	v3 =	vsel vm2, v8, v3;
	vm1 =	vgt.s32 v11, $0xC3FF;
	v8 =	vadd.s32 $0xFFFF3C00, v11;
	v5 =	vld.idx.msk [tilespmem:v5+s12+$0x0], $0xffff  }
0x28a: {  	s13 =	sadd.s32 $0xA0, s13;
	v1 =	vld.idx.msk [tilespmem:v1+s12+$0x0], $0xffff;
	v8 =	vsel vm1, v8, v11;
	vm0 =	vgt.s32 v6, $0xC3FF;
	v11 =	vadd.s32 $0xFFFF3C00, v6  }
0x28b: {  	vm9 =	vgt.s32 v10, $0xC3FF;
	v13 =	vadd.s32 $0xFFFF3C00, v10;
	v6 =	vsel vm0, v11, v6;
	v11 =	vld [tilespmem:s13+$0x40]  }
0x28c: {  	v10 =	vsel vm9, v13, v10;
	v13 =	vld [tilespmem:s21+$0x13B00];
	v0 =	vmul.f32 v0, v12  }
0x28d: {  	v2 =	vld.idx.msk [tilespmem:v2+s12+$0x0], $0xffff  }
0x28e: {  	v12 =	vand.u32 $0xFFFF0000, v9;
	v9 =	vshll.u32 v9, $0x10;
	v4 =	vld.idx.msk [tilespmem:v4+s12+$0x0], $0xffff;
	[tilespmem:s14+$0x20] =	vst v0;
	s14 =	smov.u32 s13  }
0x28f: {  	v9 =	vsel vm7, v12, v9;
	v0 =	vld.idx.msk [tilespmem:v7+s12+$0x0], $0xffff;
	v7 =	vand.u32 $0xFFFF0000, v5;
	v5 =	vshll.u32 v5, $0x10  }
0x290: {  	v12 =	vand.u32 $0xFFFF0000, v1;
	v14 =	vld.idx.msk [tilespmem:v3+s12+$0x0], $0xffff;
	v3 =	vsel vm8, v7, v5;
	v5 =	vmul.f32 v9, v11  }
0x291: {  	v1 =	vshll.u32 v1, $0x10;
	v7 =	vld.idx.msk [tilespmem:v10+s12+$0x0], $0xffff;
	v3 =	vmul.f32 v3, v13  }
0x292: {  	v10 =	vsel vm6, v12, v1;
	v9 =	vld.idx.msk [tilespmem:v8+s12+$0x0], $0xffff;
	[tilespmem:s13+$0x40] =	vst v5  }
0x293: {  	v1 =	vand.u32 $0xFFFF0000, v2;
	v2 =	vshll.u32 v2, $0x10;
	v11 =	vld.idx.msk [tilespmem:v6+s12+$0x0], $0xffff;
	[tilespmem:s21+$0x13B00] =	vst v3  }
0x294: {  	v1 =	vsel vm3, v1, v2;
	v2 =	vand.u32 $0xFFFF0000, v4;
	v3 =	vshll.u32 v4, $0x10;
	v12 =	vld [tilespmem:s13+$0xFFFFFFB0]  }
0x295: {  	v2 =	vsel vm5, v2, v3;
	v3 =	vand.u32 $0xFFFF0000, v0;
	v0 =	vshll.u32 v0, $0x10;
	v13 =	vld [tilespmem:s13+$0xFFFFFFC0]  }
.Ltmp7:
0x296: {  	v3 =	vsel vm4, v3, v0;
	v0 =	vand.u32 $0xFFFF0000, v14;
	v4 =	vshll.u32 v14, $0x10;
	v5 =	vld [tilespmem:s13+$0xFFFFFFD0];
	(pc) =	sbr.rel @p0 .LBB2_17-.Ltmp7, $4  }
0x297: {  	v8 =	vand.u32 $0xFFFF0000, v7;
	v7 =	vshll.u32 v7, $0x10;
	v4 =	vsel vm2, v0, v4;
	v6 =	vld [tilespmem:s13+$0xFFFFFFE0]  }
0x298: {  	v0 =	vsel vm9, v8, v7;
	v7 =	vand.u32 $0xFFFF0000, v9;
	v14 =	vshll.u32 v9, $0x10;
	v8 =	vld [tilespmem:s13+$0xFFFFFFF0]  }
0x299: {  	v7 =	vsel vm1, v7, v14;
	v14 =	vand.u32 $0xFFFF0000, v11;
	v15 =	vshll.u32 v11, $0x10;
	v9 =	vld [tilespmem:s13+$0x0]  }
0x29a: {  	s20 =	sadd.s32 $0xA0, s20;
	s30 =	sadd.s32 $0xA0, s30;
	v12 =	vmul.f32 v0, v12;
	v0 =	vsel vm0, v14, v15;
	v11 =	vmul.f32 v10, v13;
	v10 =	vld [tilespmem:s13+$0x10]  }
0x29b: {  	_ = 	snop  }
0x29c: {  	v1 =	vmul.f32 v1, v5;
	v60 =	vld [tilespmem:s13+$0x20];
	[tilespmem:s13+$0xFFFFFFB0] =	vst v12  }
0x29d: {  	v2 =	vmul.f32 v2, v6;
	[tilespmem:s13+$0xFFFFFFC0] =	vst v11  }
0x29e: {  	v3 =	vmul.f32 v3, v8;
	[tilespmem:s13+$0xFFFFFFD0] =	vst v1  }
0x29f: {  	v61 =	vmul.f32 v4, v9;
	[tilespmem:s13+$0xFFFFFFE0] =	vst v2  }
0x2a0: {  	v62 =	vmul.f32 v7, v10;
	[tilespmem:s13+$0xFFFFFFF0] =	vst v3  }
0x2a1: {  	[tilespmem:s13+$0x0] =	vst v61;
	v0 =	vmul.f32 v0, v60  }
0x2a2: {  	[tilespmem:s13+$0x10] =	vst v62  }
0x2a3: {  	[tilespmem:s14+$0x20] =	vst v0  }
.LBB2_19:
0x2a4: {  	s13 =	sshra.s32 s12, $0x2  }
0x2a5: {  	v0 =	vld [tilespmem:s13+$0x139C0];
	_ =	sdelay $0x4  }
0x2a6: {  	vm0 =	vgt.s32 v0, $0xC3FF;
	v1 =	vadd.s32 $0xFFFF3C00, v0  }
0x2a7: {  	v0 =	vsel vm0, v1, v0;
	_ =	sdelay $0x4  }
0x2a8: {  	v0 =	vld.idx.msk [tilespmem:v0+s5+$0x0], $0xffff;
	_ =	sdelay $0x1  }
0x2a9: {  	v62 =	vld [tilespmem:s13+$0x16140];
	_ =	sdelay $0x1  }
0x2aa: {  	p0 =	sne.s32 s12, $0x100  }
.Ltmp8:
0x2ab: {  	v2 =	vand.u32 $0xFFFF0000, v0;
	v0 =	vshll.u32 v0, $0x10;
	(pc) =	sbr.rel @p0 .LBB2_19-.Ltmp8, $3  }
0x2ac: {  	v0 =	vsel vm0, v2, v0  }
0x2ad: {  	v0 =	vmul.f32 v0, v62;
	_ =	sdelay $0x1  }
0x2ae: {  	s12 =	sadd.s32 $0x40, s12;
	[tilespmem:s13+$0x16140] =	vst v0  }
0x2af: {  	s29 =	sadd.s32 $0x1, s29  }
0x2b0: {  	p0 =	sne.s32 s29, $0x5  }
.Ltmp9:
0x2b1: {  	_ = 	snop;
	(pc) =	sbr.rel @p0 .LBB2_4-.Ltmp9, $4  }
0x2b2: {  	_ = 	snop  }
0x2b3: {  	s11 =	sshrl.u32 s11, $0x3  }
0x2b4: {  	s11 =	sadd.s32 s4, s11  }
0x2b5: {  	[hbm4b:s11+s5] =	stream.linear.scatter [tilespmem:s25], [sflag:$0xB], $0x2710, $0x38;
	v63 =	vld [tilespmem:$0x0]  }
0x2b6: {  	s11 =	simm.s32 $0xC  }
0x2b7: {  	_ =	swait.ge [sflag:s11], $0x2710  }
0x2b8: {  	[sflag:s11] =	ssyncset.done $0x0  }
0x2b9: {  	s29 =	simm.s32 $0xD;
	[sflag:s11] =	ssyncadd.s32 $0xFFFFD8F0  }
0x2ba: {  	_ =	swait.ge [sflag:s29], $0x2710  }
0x2bb: {  	[sflag:s29] =	ssyncset.done $0x0  }
0x2bc: {  	s30 =	simm.s32 $0xA;
	[sflag:s29] =	ssyncadd.s32 $0xFFFFD8F0  }
0x2bd: {  	_ =	swait.ge [sflag:s30], $0x2710  }
0x2be: {  	[sflag:s30] =	ssyncset.done $0x0  }
0x2bf: {  	s12 =	simm.s32 $0xB;
	[sflag:s30] =	ssyncadd.s32 $0xFFFFD8F0  }
0x2c0: {  	_ =	swait.ge [sflag:s12], $0x2710  }
0x2c1: {  	s13 =	rddreg [dreg:$0xe]  }
0x2c2: {  	s31 =	rddreg [dreg:$0xd];
	s13 =	sadd.s32 $0x1, s13  }
0x2c3: {  	p0 =	sne.s32 s13, s31  }
.Ltmp10:
0x2c4: {  	_ = 	snop;
	(pc) =	sbr.rel @p0 .LBB2_1-.Ltmp10, $3  }
0x2c5: {  	_ =	sdelay $0x1  }
0x2c6: {  	[sflag:s12] =	ssyncset.done $0x0  }
0x2c7: {  	[sflag:s12] =	ssyncadd.s32 $0xFFFFD8F0  }
0x2c8: {  	_ =	sfence.sel $0x180000  }
0x2c9: {  	[bflag:$0x0] =	sbarrier.arrive $0xFFFF  }
0x2ca: {  	_ =	strace $0x90000047  }
0x2cb: {  	s0 =	stileid.u32;
	[bflag:$0x2] =	sbarrier.arrive $0xFFFF  }
0x2cc: {  	p0 =	sne.s32 s0, $0x0;
	s0 =	rddreg [dreg:$0x4]  }
0x2cd: {  	s0 =	sadd.s32 @!p0 $0x100000, s0  }
0x2ce: {  	[sflag:s0] =	ssyncadd.tile.s32 @!p0 $0x1;
	_ =	shalt  }
.Lfunc_end2:
_tile_overlayer_lowered:
.L_overlay_start_2:
0x2cf: {  	(tag) =	ssettag $0x2  }
0x2d0: {  	s0 =	rddreg [dreg:$0x0];
	s2 =	stileid.u32  }
0x2d1: {  	s1 =	rddreg [dreg:$0x1];
	p0 =	sne.s32 s2, $0x0  }
0x2d2: {  	s3 =	rddreg [dreg:$0x2];
	[bflag:$0x3] =	sbarrier.arrive $0xFFFF;
	s2 =	simm.s32 @!p0 $0x1C0E  }
0x2d3: {  	[timem:s3], [sflag:s2] =	dma.local @!p0 [hbm:s0], s1  }
0x2d4: {  	s0 =	simm.s32 @!p0 $0xE  }
0x2d5: {  	_ =	swait.ge @!p0 [sflag:s0], s1  }
0x2d6: {  	s1 =	ssub.s32 @!p0 $0x0, s1;
	[sflag:s0] =	ssyncset.done @!p0 $0x0  }
0x2d7: {  	[sflag:s0] =	ssyncadd.s32 @!p0 s1  }
0x2d8: {  	[bflag:$0x3] =	sbarrier.arrive $0xFFFF  }
0x2d9: {  	_ =	shalt  }

</sc_bundles>
